<compile_context>
chip_gen: v7x
topology: tpu7x:2x2x1
jax: 0.10.2.dev20260603
libtpu: 0.0.44.dev20260713+nightly
codegen_flags: <defaults>
</compile_context>

<pallas_src>
import functools

import jax
import jax.numpy as jnp
from jax import lax
from jax.experimental import pallas as pl
from jax.experimental.pallas import tpu as pltpu
from jax.experimental.pallas import tpu_sc as plsc

N_LOC = 10000
N_EVT = 10000
E = 320000
D = 128
H = 256
HH = 128
RB = 2000
GRID = N_LOC // RB
EB = 128
EPAD = 320512
NB = EPAD // EB
G = 8
NQ = NB // G
NTILES = 16
ACC_ROWS = 10008
CNT_PAD = 10112
RPT = 624
MAXJ = (NQ + NTILES - 1) // NTILES


def _tc_evt_body(xe_ref, we_ref, be_ref, evt_ref):
    ye = jnp.dot(xe_ref[...], we_ref[...], preferred_element_type=jnp.float32)
    ye = jnp.maximum(ye + be_ref[...], 0.0)
    evt_ref[0] = ye[:, :HH]
    evt_ref[1] = ye[:, HH:]


_tc_evt = pl.pallas_call(
    _tc_evt_body,
    grid=(GRID,),
    in_specs=[
        pl.BlockSpec((RB, D), lambda i: (i, 0)),
        pl.BlockSpec((D, H), lambda i: (0, 0)),
        pl.BlockSpec((1, H), lambda i: (0, 0)),
    ],
    out_specs=[pl.BlockSpec((2, RB, HH), lambda i: (0, i, 0))],
    out_shape=[jax.ShapeDtypeStruct((2, N_EVT, HH), jnp.float32)],
)


def _sc_body(evt_hbm, srcA_hbm, srcB_hbm, dst_hbm, agg0_hbm, agg1_hbm,
             cntA_hbm, cntB_hbm, rows_v, sidx_v, didx_v, zbuf_v, zc_v, ones_v,
             acc_sh, cnt_sh, sem_g, sem_s0, sem_s1, sem_c):
    c = lax.axis_index("c")
    s = lax.axis_index("s")

    zero16 = jnp.zeros((16,), jnp.float32)
    one16 = jnp.ones((16,), jnp.float32)
    for k in range(EB // 16):
        ones_v[pl.ds(k * 16, 16)] = one16

    def _zb(i, carry):
        for k in range(HH // 16):
            zbuf_v[i, pl.ds(k * 16, 16)] = zero16
        return carry
    lax.fori_loop(0, 64, _zb, 0)

    def _zc(i, carry):
        zc_v[pl.ds(i * 16, 16)] = zero16
        return carry
    lax.fori_loop(0, 125, _zc, 0)

    r0 = s * RPT
    for k in range(9):
        pltpu.sync_copy(zbuf_v, acc_sh.at[pl.ds(r0 + k * 64, 64)])
    pltpu.sync_copy(zbuf_v.at[pl.ds(0, 48)], acc_sh.at[pl.ds(r0 + 576, 48)])

    @pl.when(s == NTILES - 1)
    def _():
        pltpu.sync_copy(zbuf_v.at[pl.ds(0, ACC_ROWS - NTILES * RPT)],
                        acc_sh.at[pl.ds(NTILES * RPT, ACC_ROWS - NTILES * RPT)])

    @pl.when(s < 5)
    def _():
        pltpu.sync_copy(zc_v, cnt_sh.at[pl.ds(s * 2000, 2000)])

    @pl.when(s == 5)
    def _():
        pltpu.sync_copy(zc_v.at[pl.ds(0, CNT_PAD - N_LOC)],
                        cnt_sh.at[pl.ds(N_LOC, CNT_PAD - N_LOC)])

    plsc.subcore_barrier()

    def body(j, carry):
        q = s + NTILES * j

        @pl.when(q < NQ)
        def _():
            row0 = q * G

            @pl.when(c == 0)
            def _():
                pltpu.sync_copy(srcA_hbm.at[pl.ds(row0, G)], sidx_v)

            @pl.when(c == 1)
            def _():
                pltpu.sync_copy(srcB_hbm.at[pl.ds(row0, G)], sidx_v)

            pltpu.sync_copy(dst_hbm.at[pl.ds(row0, G)], didx_v)

            half = NQ // 2
            do_cnt = jnp.logical_or(jnp.logical_and(c == 0, q < half),
                                    jnp.logical_and(c == 1, q >= half))
            sem_s = [sem_s0, sem_s1]

            def buf(b):
                return rows_v.at[pl.ds((b % 2) * EB, EB)]

            gathers = [pltpu.async_copy(evt_hbm.at[sidx_v.at[0]], buf(0),
                                        sem_g)]
            scatters = []
            cnts = []
            for b in range(G):
                gathers[b].wait()
                scatters.append(
                    pltpu.async_copy(buf(b), acc_sh.at[didx_v.at[b]],
                                     sem_s[b % 2], add=True))

                @pl.when(do_cnt)
                def _(b=b):
                    cnts.append(
                        pltpu.async_copy(ones_v, cnt_sh.at[didx_v.at[b]],
                                         sem_c, add=True))

                if b + 1 < G:
                    if b >= 1:
                        scatters[b - 1].wait()
                    gathers.append(
                        pltpu.async_copy(evt_hbm.at[sidx_v.at[b + 1]],
                                         buf(b + 1), sem_g))
            scatters[G - 2].wait()
            scatters[G - 1].wait()

            @pl.when(do_cnt)
            def _():
                for cp in cnts:
                    cp.wait()

        return carry

    lax.fori_loop(0, MAXJ, body, 0)

    plsc.subcore_barrier()

    @pl.when(c == 0)
    def _():
        pltpu.sync_copy(acc_sh.at[pl.ds(r0, RPT)], agg0_hbm.at[pl.ds(r0, RPT)])

        @pl.when(s == NTILES - 1)
        def _():
            pltpu.sync_copy(acc_sh.at[pl.ds(NTILES * RPT, N_LOC - NTILES * RPT)],
                            agg0_hbm.at[pl.ds(NTILES * RPT, N_LOC - NTILES * RPT)])

        @pl.when(s == 0)
        def _():
            pltpu.sync_copy(cnt_sh, cntA_hbm)

    @pl.when(c == 1)
    def _():
        pltpu.sync_copy(acc_sh.at[pl.ds(r0, RPT)], agg1_hbm.at[pl.ds(r0, RPT)])

        @pl.when(s == NTILES - 1)
        def _():
            pltpu.sync_copy(acc_sh.at[pl.ds(NTILES * RPT, N_LOC - NTILES * RPT)],
                            agg1_hbm.at[pl.ds(NTILES * RPT, N_LOC - NTILES * RPT)])

        @pl.when(s == 0)
        def _():
            pltpu.sync_copy(cnt_sh, cntB_hbm)


_sc_agg = functools.partial(
    pl.kernel,
    out_type=[
        jax.ShapeDtypeStruct((N_LOC, HH), jnp.float32),
        jax.ShapeDtypeStruct((N_LOC, HH), jnp.float32),
        jax.ShapeDtypeStruct((CNT_PAD,), jnp.float32),
        jax.ShapeDtypeStruct((CNT_PAD,), jnp.float32),
    ],
    mesh=plsc.VectorSubcoreMesh(core_axis_name="c", subcore_axis_name="s"),
    scratch_types=[
        pltpu.VMEM((2 * EB, HH), jnp.float32),
        pltpu.VMEM((G, EB), jnp.int32),
        pltpu.VMEM((G, EB), jnp.int32),
        pltpu.VMEM((64, HH), jnp.float32),
        pltpu.VMEM((2000,), jnp.float32),
        pltpu.VMEM((EB,), jnp.float32),
        pltpu.VMEM_SHARED((ACC_ROWS, HH), jnp.float32),
        pltpu.VMEM_SHARED((CNT_PAD,), jnp.float32),
        pltpu.SemaphoreType.DMA,
        pltpu.SemaphoreType.DMA,
        pltpu.SemaphoreType.DMA,
        pltpu.SemaphoreType.DMA,
    ],
)(_sc_body)


def _tc_head_body(a0_ref, a1_ref, cntA_ref, cntB_ref, xl_ref, wloc_ref,
                  bloc_ref, wl_ref, bl_ref, wr_ref, w1_ref, b1_ref, w2_ref,
                  b2_ref, out_ref):
    yl = jnp.dot(xl_ref[...], wloc_ref[...], preferred_element_type=jnp.float32)
    loc = jnp.maximum(yl + bloc_ref[...], 0.0)
    cnt = cntA_ref[0] + cntB_ref[0]
    inv = 1.0 / jnp.maximum(cnt, 1.0)
    m0 = a0_ref[...] * inv
    m1 = a1_ref[...] * inv
    wl = wl_ref[...]
    conv = (jnp.dot(m0, wl[:HH], preferred_element_type=jnp.float32)
            + jnp.dot(m1, wl[HH:], preferred_element_type=jnp.float32)
            + jnp.dot(loc, wr_ref[...],
                      preferred_element_type=jnp.float32)
            + bl_ref[...])
    lh = jnp.maximum(conv, 0.0)
    h = jnp.dot(lh, w1_ref[...], preferred_element_type=jnp.float32)
    h = jnp.maximum(h + b1_ref[...], 0.0)
    lg = jnp.sum(h * w2_ref[...], axis=1, keepdims=True) + b2_ref[...]
    out_ref[0] = lg


_tc_head = pl.pallas_call(
    _tc_head_body,
    grid=(GRID,),
    in_specs=[
        pl.BlockSpec((RB, HH), lambda i: (i, 0)),
        pl.BlockSpec((RB, HH), lambda i: (i, 0)),
        pl.BlockSpec((1, RB, 1), lambda i: (i, 0, 0)),
        pl.BlockSpec((1, RB, 1), lambda i: (i, 0, 0)),
        pl.BlockSpec((RB, D), lambda i: (i, 0)),
        pl.BlockSpec((D, H), lambda i: (0, 0)),
        pl.BlockSpec((1, H), lambda i: (0, 0)),
        pl.BlockSpec((H, H), lambda i: (0, 0)),
        pl.BlockSpec((1, H), lambda i: (0, 0)),
        pl.BlockSpec((H, H), lambda i: (0, 0)),
        pl.BlockSpec((H, HH), lambda i: (0, 0)),
        pl.BlockSpec((1, HH), lambda i: (0, 0)),
        pl.BlockSpec((1, HH), lambda i: (0, 0)),
        pl.BlockSpec((1, 1), lambda i: (0, 0)),
    ],
    out_specs=[pl.BlockSpec((1, RB, 1), lambda i: (i, 0, 0))],
    out_shape=[jax.ShapeDtypeStruct((GRID, RB, 1), jnp.float32)],
)


def kernel(x_loc, x_evt, edge_index, W_loc, b_loc, W_evt, b_evt,
           W_l, b_l, W_r, W1, b1, W2, b2):
    pad = EPAD - E
    src = jnp.concatenate(
        [edge_index[0], jnp.zeros((pad,), jnp.int32)]).reshape(NB, EB)
    dst = jnp.concatenate(
        [edge_index[1], jnp.full((pad,), N_LOC, jnp.int32)]).reshape(NB, EB)
    srcB = src + N_EVT

    (evt_pair,) = _tc_evt(x_evt, W_evt, b_evt.reshape(1, H))
    evt_flat = evt_pair.reshape(2 * N_EVT, HH)

    agg0, agg1, cntA, cntB = _sc_agg(evt_flat, src, srcB, dst)

    (out3,) = _tc_head(agg0, agg1, cntA[:N_LOC].reshape(GRID, RB, 1),
                       cntB[:N_LOC].reshape(GRID, RB, 1), x_loc, W_loc,
                       b_loc.reshape(1, H),
                       W_l, b_l.reshape(1, H), W_r, W1, b1.reshape(1, HH),
                       W2.reshape(1, HH), b2.reshape(1, 1))
    return out3.reshape(N_LOC)

# --- scband reference (transcript-rebuilt; emitter-appended) ---
"""Pipeline reference for scband-hetero-gnnmodel-64458869179096 (READ-ONLY COPY).

The authoritative reference and input builder live on the scoring server;
editing this copy changes nothing except your own understanding.
"""

import jax, jax.numpy as jnp
import numpy as np

N_LOC = 10000
N_EVT = 10000
E = 320000
D_LOC = 128
D_EVT = 128
H = 256


def _init(key, shape, fan_in):
    return jax.random.normal(key, shape, jnp.float32) * (1.0 / np.sqrt(fan_in))


def setup_inputs(seed: int = 0) -> dict:
    key = jax.random.key(seed)
    ks = jax.random.split(key, 16)
    x_loc = jax.random.normal(ks[0], (N_LOC, D_LOC), jnp.float32)
    x_evt = jax.random.normal(ks[1], (N_EVT, D_EVT), jnp.float32)
    edge_index = jax.random.randint(ks[2], (2, E), 0, N_LOC, dtype=jnp.int32)
    params = {
        'W_loc': _init(ks[3], (D_LOC, H), D_LOC),
        'b_loc': jnp.zeros((H,), jnp.float32),
        'W_evt': _init(ks[4], (D_EVT, H), D_EVT),
        'b_evt': jnp.zeros((H,), jnp.float32),
        'W_l': _init(ks[5], (H, H), H),
        'b_l': jnp.zeros((H,), jnp.float32),
        'W_r': _init(ks[6], (H, H), H),
        'W1': _init(ks[7], (H, H // 2), H),
        'b1': jnp.zeros((H // 2,), jnp.float32),
        'W2': _init(ks[8], (H // 2, 1), H // 2),
        'b2': jnp.zeros((1,), jnp.float32),
    }
    inp = {'x_loc': x_loc, 'x_evt': x_evt, 'edge_index': edge_index}
    inp.update(params)
    return inp


def reference(x_loc, x_evt, edge_index, W_loc, b_loc, W_evt, b_evt, W_l, b_l, W_r, W1, b1, W2, b2):
    # loc_x = relu(loc_proj(data['location'].x))
    loc_x = jax.nn.relu(x_loc @ W_loc + b_loc)
    # evt_x = relu(evt_proj(data['event'].x))
    evt_x = jax.nn.relu(x_evt @ W_evt + b_evt)
    # SAGEConv((evt_x, loc_x), edge_index): mean-aggregate source (event) features at
    # destination (location) nodes, then lin_l(aggr) + lin_r(loc_x)
    src = edge_index[0]
    dst = edge_index[1]
    msg = jnp.take(evt_x, src, axis=0)                       # gather [E, H]
    agg_sum = jax.ops.segment_sum(msg, dst, num_segments=N_LOC)   # scatter-add
    counts = jax.ops.segment_sum(jnp.ones((E,), jnp.float32), dst, num_segments=N_LOC)
    agg = agg_sum / jnp.clip(counts, 1.0, None)[:, None]     # mean aggregation
    conv_out = agg @ W_l + b_l + loc_x @ W_r
    loc_h = jax.nn.relu(conv_out)
    # head: Linear -> ReLU -> Linear, squeeze(-1)
    h = jax.nn.relu(loc_h @ W1 + b1)
    logits = (h @ W2 + b2)[:, 0]
    return logits

if __name__ == "__main__":
    import jax
    _d = setup_inputs()
    print(jax.jit(kernel)(*tuple(_d.values())))

</pallas_src>

<mosaic_0001>
#map = affine_map<(d0, d1) -> (0, 0)>
#map1 = affine_map<(d0, d1) -> (0)>
module attributes {stable_mosaic.version = 14 : i64} {
  func.func @_rewritten_body(%arg0: i32, %arg1: i32, %arg2: memref<20000x128xf32, #tpu.memory_space<hbm>>, %arg3: memref<2504x128xi32, #tpu.memory_space<hbm>>, %arg4: memref<2504x128xi32, #tpu.memory_space<hbm>>, %arg5: memref<2504x128xi32, #tpu.memory_space<hbm>>, %arg6: memref<1xi32, #tpu.memory_space<hbm>>, %arg7: memref<1xi32, #tpu.memory_space<hbm>>, %arg8: memref<1xi32, #tpu.memory_space<hbm>>, %arg9: memref<1xi32, #tpu.memory_space<hbm>>, %arg10: memref<1xi32, #tpu.memory_space<hbm>>, %arg11: memref<1xi32, #tpu.memory_space<hbm>>, %arg12: memref<1xi32, #tpu.memory_space<hbm>>, %arg13: memref<1xi32, #tpu.memory_space<hbm>>, %arg14: memref<10000x128xf32, #tpu.memory_space<hbm>>, %arg15: memref<10000x128xf32, #tpu.memory_space<hbm>>, %arg16: memref<10112xf32, #tpu.memory_space<hbm>>, %arg17: memref<10112xf32, #tpu.memory_space<hbm>>, %arg18: memref<256x128xf32, #tpu.memory_space<vmem>>, %arg19: memref<8x128xi32, #tpu.memory_space<vmem>>, %arg20: memref<8x128xi32, #tpu.memory_space<vmem>>, %arg21: memref<64x128xf32, #tpu.memory_space<vmem>>, %arg22: memref<2000xf32, #tpu.memory_space<vmem>>, %arg23: memref<128xf32, #tpu.memory_space<vmem>>, %arg24: memref<10008x128xf32, #tpu.memory_space<vmem_shared>>, %arg25: memref<10112xf32, #tpu.memory_space<vmem_shared>>, %arg26: memref<!tpu.dma_semaphore, #tpu.memory_space<semaphore_mem>>, %arg27: memref<!tpu.dma_semaphore, #tpu.memory_space<semaphore_mem>>, %arg28: memref<!tpu.dma_semaphore, #tpu.memory_space<semaphore_mem>>, %arg29: memref<!tpu.dma_semaphore, #tpu.memory_space<semaphore_mem>>) attributes {dimension_semantics = [#tpu.dimension_semantics<core_parallel>, #tpu.dimension_semantics<subcore_parallel>], iteration_bounds = array<i64: 2, 16>, scalar_prefetch = 0 : i64, scratch_operands = 12 : i64, tpu.core_type = #tpu.core_type<sc_vector_subcore>, window_params = [{transform_indices = #map}, {transform_indices = #map}, {transform_indices = #map}, {transform_indices = #map}, {transform_indices = #map1}, {transform_indices = #map1}, {transform_indices = #map1}, {transform_indices = #map1}, {transform_indices = #map1}, {transform_indices = #map1}, {transform_indices = #map1}, {transform_indices = #map1}, {transform_indices = #map}, {transform_indices = #map}, {transform_indices = #map1}, {transform_indices = #map1}]} {
    %empty_ref3A = memref.alloca() : memref<16xi32, #tpu.memory_space<vmem>>
    %empty_ref3A_0 = memref.alloca() : memref<16xi32, #tpu.memory_space<vmem>>
    %empty_ref3A_1 = memref.alloca() : memref<16xi32, #tpu.memory_space<vmem>>
    %empty_ref3A_2 = memref.alloca() : memref<16xi32, #tpu.memory_space<vmem>>
    %empty_ref3A_3 = memref.alloca() : memref<16xi32, #tpu.memory_space<vmem>>
    %empty_ref3A_4 = memref.alloca() : memref<16xi32, #tpu.memory_space<vmem>>
    %empty_ref3A_5 = memref.alloca() : memref<16xi32, #tpu.memory_space<vmem>>
    %empty_ref3A_6 = memref.alloca() : memref<16xi32, #tpu.memory_space<vmem>>
    "tpu.region"() ({
      %run_scoped3A = tpu.sem_alloc : memref<!tpu.dma_semaphore, #tpu.memory_space<semaphore_mem>>
      %dma_start3A = arith.constant 0 : i32
      %dma_start3A_137 = tpu.memref_slice %empty_ref3A[%dma_start3A] : memref<16xi32, #tpu.memory_space<vmem>> -> memref<1xi32, #tpu.memory_space<vmem>>
      %dma_start3A_138 = arith.constant 0 : i32
      %dma_start3A_139 = tpu.memref_slice %empty_ref3A[%dma_start3A_138] : memref<16xi32, #tpu.memory_space<vmem>> -> memref<1xi32, #tpu.memory_space<vmem>>
      tpu.enqueue_dma source(%arg6 : memref<1xi32, #tpu.memory_space<hbm>>) target(%dma_start3A_139 : memref<1xi32, #tpu.memory_space<vmem>>) target_semaphore(%run_scoped3A : memref<!tpu.dma_semaphore, #tpu.memory_space<semaphore_mem>>)
      %dma_start3A_140 = arith.constant 0 : i32
      %dma_start3A_141 = tpu.memref_slice %empty_ref3A_0[%dma_start3A_140] : memref<16xi32, #tpu.memory_space<vmem>> -> memref<1xi32, #tpu.memory_space<vmem>>
      %dma_start3A_142 = arith.constant 0 : i32
      %dma_start3A_143 = tpu.memref_slice %empty_ref3A_0[%dma_start3A_142] : memref<16xi32, #tpu.memory_space<vmem>> -> memref<1xi32, #tpu.memory_space<vmem>>
      tpu.enqueue_dma source(%arg7 : memref<1xi32, #tpu.memory_space<hbm>>) target(%dma_start3A_143 : memref<1xi32, #tpu.memory_space<vmem>>) target_semaphore(%run_scoped3A : memref<!tpu.dma_semaphore, #tpu.memory_space<semaphore_mem>>)
      %dma_start3A_144 = arith.constant 0 : i32
      %dma_start3A_145 = tpu.memref_slice %empty_ref3A_1[%dma_start3A_144] : memref<16xi32, #tpu.memory_space<vmem>> -> memref<1xi32, #tpu.memory_space<vmem>>
      %dma_start3A_146 = arith.constant 0 : i32
      %dma_start3A_147 = tpu.memref_slice %empty_ref3A_1[%dma_start3A_146] : memref<16xi32, #tpu.memory_space<vmem>> -> memref<1xi32, #tpu.memory_space<vmem>>
      tpu.enqueue_dma source(%arg8 : memref<1xi32, #tpu.memory_space<hbm>>) target(%dma_start3A_147 : memref<1xi32, #tpu.memory_space<vmem>>) target_semaphore(%run_scoped3A : memref<!tpu.dma_semaphore, #tpu.memory_space<semaphore_mem>>)
      %dma_start3A_148 = arith.constant 0 : i32
      %dma_start3A_149 = tpu.memref_slice %empty_ref3A_2[%dma_start3A_148] : memref<16xi32, #tpu.memory_space<vmem>> -> memref<1xi32, #tpu.memory_space<vmem>>
      %dma_start3A_150 = arith.constant 0 : i32
      %dma_start3A_151 = tpu.memref_slice %empty_ref3A_2[%dma_start3A_150] : memref<16xi32, #tpu.memory_space<vmem>> -> memref<1xi32, #tpu.memory_space<vmem>>
      tpu.enqueue_dma source(%arg9 : memref<1xi32, #tpu.memory_space<hbm>>) target(%dma_start3A_151 : memref<1xi32, #tpu.memory_space<vmem>>) target_semaphore(%run_scoped3A : memref<!tpu.dma_semaphore, #tpu.memory_space<semaphore_mem>>)
      %dma_start3A_152 = arith.constant 0 : i32
      %dma_start3A_153 = tpu.memref_slice %empty_ref3A_3[%dma_start3A_152] : memref<16xi32, #tpu.memory_space<vmem>> -> memref<1xi32, #tpu.memory_space<vmem>>
      %dma_start3A_154 = arith.constant 0 : i32
      %dma_start3A_155 = tpu.memref_slice %empty_ref3A_3[%dma_start3A_154] : memref<16xi32, #tpu.memory_space<vmem>> -> memref<1xi32, #tpu.memory_space<vmem>>
      tpu.enqueue_dma source(%arg10 : memref<1xi32, #tpu.memory_space<hbm>>) target(%dma_start3A_155 : memref<1xi32, #tpu.memory_space<vmem>>) target_semaphore(%run_scoped3A : memref<!tpu.dma_semaphore, #tpu.memory_space<semaphore_mem>>)
      %dma_start3A_156 = arith.constant 0 : i32
      %dma_start3A_157 = tpu.memref_slice %empty_ref3A_4[%dma_start3A_156] : memref<16xi32, #tpu.memory_space<vmem>> -> memref<1xi32, #tpu.memory_space<vmem>>
      %dma_start3A_158 = arith.constant 0 : i32
      %dma_start3A_159 = tpu.memref_slice %empty_ref3A_4[%dma_start3A_158] : memref<16xi32, #tpu.memory_space<vmem>> -> memref<1xi32, #tpu.memory_space<vmem>>
      tpu.enqueue_dma source(%arg11 : memref<1xi32, #tpu.memory_space<hbm>>) target(%dma_start3A_159 : memref<1xi32, #tpu.memory_space<vmem>>) target_semaphore(%run_scoped3A : memref<!tpu.dma_semaphore, #tpu.memory_space<semaphore_mem>>)
      %dma_start3A_160 = arith.constant 0 : i32
      %dma_start3A_161 = tpu.memref_slice %empty_ref3A_5[%dma_start3A_160] : memref<16xi32, #tpu.memory_space<vmem>> -> memref<1xi32, #tpu.memory_space<vmem>>
      %dma_start3A_162 = arith.constant 0 : i32
      %dma_start3A_163 = tpu.memref_slice %empty_ref3A_5[%dma_start3A_162] : memref<16xi32, #tpu.memory_space<vmem>> -> memref<1xi32, #tpu.memory_space<vmem>>
      tpu.enqueue_dma source(%arg12 : memref<1xi32, #tpu.memory_space<hbm>>) target(%dma_start3A_163 : memref<1xi32, #tpu.memory_space<vmem>>) target_semaphore(%run_scoped3A : memref<!tpu.dma_semaphore, #tpu.memory_space<semaphore_mem>>)
      %dma_start3A_164 = arith.constant 0 : i32
      %dma_start3A_165 = tpu.memref_slice %empty_ref3A_6[%dma_start3A_164] : memref<16xi32, #tpu.memory_space<vmem>> -> memref<1xi32, #tpu.memory_space<vmem>>
      %dma_start3A_166 = arith.constant 0 : i32
      %dma_start3A_167 = tpu.memref_slice %empty_ref3A_6[%dma_start3A_166] : memref<16xi32, #tpu.memory_space<vmem>> -> memref<1xi32, #tpu.memory_space<vmem>>
      tpu.enqueue_dma source(%arg13 : memref<1xi32, #tpu.memory_space<hbm>>) target(%dma_start3A_167 : memref<1xi32, #tpu.memory_space<vmem>>) target_semaphore(%run_scoped3A : memref<!tpu.dma_semaphore, #tpu.memory_space<semaphore_mem>>)
      %dma_wait3A = arith.constant 0 : i32
      %dma_wait3A_168 = tpu.memref_slice %empty_ref3A[%dma_wait3A] : memref<16xi32, #tpu.memory_space<vmem>> -> memref<1xi32, #tpu.memory_space<vmem>>
      %dma_wait3A_169 = arith.constant 0 : i32
      %dma_wait3A_170 = tpu.memref_slice %empty_ref3A[%dma_wait3A_169] : memref<16xi32, #tpu.memory_space<vmem>> -> memref<1xi32, #tpu.memory_space<vmem>>
      tpu.wait_dma2 semaphore(%run_scoped3A : memref<!tpu.dma_semaphore, #tpu.memory_space<semaphore_mem>>) src(%arg6 : memref<1xi32, #tpu.memory_space<hbm>>) dst(%dma_wait3A_170 : memref<1xi32, #tpu.memory_space<vmem>>)
      %dma_wait3A_171 = arith.constant 0 : i32
      %dma_wait3A_172 = tpu.memref_slice %empty_ref3A_0[%dma_wait3A_171] : memref<16xi32, #tpu.memory_space<vmem>> -> memref<1xi32, #tpu.memory_space<vmem>>
      %dma_wait3A_173 = arith.constant 0 : i32
      %dma_wait3A_174 = tpu.memref_slice %empty_ref3A_0[%dma_wait3A_173] : memref<16xi32, #tpu.memory_space<vmem>> -> memref<1xi32, #tpu.memory_space<vmem>>
      tpu.wait_dma2 semaphore(%run_scoped3A : memref<!tpu.dma_semaphore, #tpu.memory_space<semaphore_mem>>) src(%arg7 : memref<1xi32, #tpu.memory_space<hbm>>) dst(%dma_wait3A_174 : memref<1xi32, #tpu.memory_space<vmem>>)
      %dma_wait3A_175 = arith.constant 0 : i32
      %dma_wait3A_176 = tpu.memref_slice %empty_ref3A_1[%dma_wait3A_175] : memref<16xi32, #tpu.memory_space<vmem>> -> memref<1xi32, #tpu.memory_space<vmem>>
      %dma_wait3A_177 = arith.constant 0 : i32
      %dma_wait3A_178 = tpu.memref_slice %empty_ref3A_1[%dma_wait3A_177] : memref<16xi32, #tpu.memory_space<vmem>> -> memref<1xi32, #tpu.memory_space<vmem>>
      tpu.wait_dma2 semaphore(%run_scoped3A : memref<!tpu.dma_semaphore, #tpu.memory_space<semaphore_mem>>) src(%arg8 : memref<1xi32, #tpu.memory_space<hbm>>) dst(%dma_wait3A_178 : memref<1xi32, #tpu.memory_space<vmem>>)
      %dma_wait3A_179 = arith.constant 0 : i32
      %dma_wait3A_180 = tpu.memref_slice %empty_ref3A_2[%dma_wait3A_179] : memref<16xi32, #tpu.memory_space<vmem>> -> memref<1xi32, #tpu.memory_space<vmem>>
      %dma_wait3A_181 = arith.constant 0 : i32
      %dma_wait3A_182 = tpu.memref_slice %empty_ref3A_2[%dma_wait3A_181] : memref<16xi32, #tpu.memory_space<vmem>> -> memref<1xi32, #tpu.memory_space<vmem>>
      tpu.wait_dma2 semaphore(%run_scoped3A : memref<!tpu.dma_semaphore, #tpu.memory_space<semaphore_mem>>) src(%arg9 : memref<1xi32, #tpu.memory_space<hbm>>) dst(%dma_wait3A_182 : memref<1xi32, #tpu.memory_space<vmem>>)
      %dma_wait3A_183 = arith.constant 0 : i32
      %dma_wait3A_184 = tpu.memref_slice %empty_ref3A_3[%dma_wait3A_183] : memref<16xi32, #tpu.memory_space<vmem>> -> memref<1xi32, #tpu.memory_space<vmem>>
      %dma_wait3A_185 = arith.constant 0 : i32
      %dma_wait3A_186 = tpu.memref_slice %empty_ref3A_3[%dma_wait3A_185] : memref<16xi32, #tpu.memory_space<vmem>> -> memref<1xi32, #tpu.memory_space<vmem>>
      tpu.wait_dma2 semaphore(%run_scoped3A : memref<!tpu.dma_semaphore, #tpu.memory_space<semaphore_mem>>) src(%arg10 : memref<1xi32, #tpu.memory_space<hbm>>) dst(%dma_wait3A_186 : memref<1xi32, #tpu.memory_space<vmem>>)
      %dma_wait3A_187 = arith.constant 0 : i32
      %dma_wait3A_188 = tpu.memref_slice %empty_ref3A_4[%dma_wait3A_187] : memref<16xi32, #tpu.memory_space<vmem>> -> memref<1xi32, #tpu.memory_space<vmem>>
      %dma_wait3A_189 = arith.constant 0 : i32
      %dma_wait3A_190 = tpu.memref_slice %empty_ref3A_4[%dma_wait3A_189] : memref<16xi32, #tpu.memory_space<vmem>> -> memref<1xi32, #tpu.memory_space<vmem>>
      tpu.wait_dma2 semaphore(%run_scoped3A : memref<!tpu.dma_semaphore, #tpu.memory_space<semaphore_mem>>) src(%arg11 : memref<1xi32, #tpu.memory_space<hbm>>) dst(%dma_wait3A_190 : memref<1xi32, #tpu.memory_space<vmem>>)
      %dma_wait3A_191 = arith.constant 0 : i32
      %dma_wait3A_192 = tpu.memref_slice %empty_ref3A_5[%dma_wait3A_191] : memref<16xi32, #tpu.memory_space<vmem>> -> memref<1xi32, #tpu.memory_space<vmem>>
      %dma_wait3A_193 = arith.constant 0 : i32
      %dma_wait3A_194 = tpu.memref_slice %empty_ref3A_5[%dma_wait3A_193] : memref<16xi32, #tpu.memory_space<vmem>> -> memref<1xi32, #tpu.memory_space<vmem>>
      tpu.wait_dma2 semaphore(%run_scoped3A : memref<!tpu.dma_semaphore, #tpu.memory_space<semaphore_mem>>) src(%arg12 : memref<1xi32, #tpu.memory_space<hbm>>) dst(%dma_wait3A_194 : memref<1xi32, #tpu.memory_space<vmem>>)
      %dma_wait3A_195 = arith.constant 0 : i32
      %dma_wait3A_196 = tpu.memref_slice %empty_ref3A_6[%dma_wait3A_195] : memref<16xi32, #tpu.memory_space<vmem>> -> memref<1xi32, #tpu.memory_space<vmem>>
      %dma_wait3A_197 = arith.constant 0 : i32
      %dma_wait3A_198 = tpu.memref_slice %empty_ref3A_6[%dma_wait3A_197] : memref<16xi32, #tpu.memory_space<vmem>> -> memref<1xi32, #tpu.memory_space<vmem>>
      tpu.wait_dma2 semaphore(%run_scoped3A : memref<!tpu.dma_semaphore, #tpu.memory_space<semaphore_mem>>) src(%arg13 : memref<1xi32, #tpu.memory_space<hbm>>) dst(%dma_wait3A_198 : memref<1xi32, #tpu.memory_space<vmem>>)
      tpu.yield
    }) : () -> ()
    %get3A = arith.constant 0 : index
    %get3A_7 = tpu.vector_load %empty_ref3A[%get3A] {strides = array<i32>} : memref<16xi32, #tpu.memory_space<vmem>>, vector<16xi32>,
    %get3A_8 = vector.shape_cast %get3A_7 : vector<16xi32> to vector<16xi32>
    %slice3A = vector.extract_strided_slice %get3A_8 {offsets = [0], sizes = [1], strides = [1]} : vector<16xi32> to vector<1xi32>
    %squeeze3A = vector.extract %slice3A[0] : i32 from vector<1xi32>
    %get3A_9 = arith.constant 0 : index
    %get3A_10 = tpu.vector_load %empty_ref3A_0[%get3A_9] {strides = array<i32>} : memref<16xi32, #tpu.memory_space<vmem>>, vector<16xi32>,
    %get3A_11 = vector.shape_cast %get3A_10 : vector<16xi32> to vector<16xi32>
    %slice3A_12 = vector.extract_strided_slice %get3A_11 {offsets = [0], sizes = [1], strides = [1]} : vector<16xi32> to vector<1xi32>
    %squeeze3A_13 = vector.extract %slice3A_12[0] : i32 from vector<1xi32>
    %get3A_14 = arith.constant 0 : index
    %get3A_15 = tpu.vector_load %empty_ref3A_1[%get3A_14] {strides = array<i32>} : memref<16xi32, #tpu.memory_space<vmem>>, vector<16xi32>,
    %get3A_16 = vector.shape_cast %get3A_15 : vector<16xi32> to vector<16xi32>
    %slice3A_17 = vector.extract_strided_slice %get3A_16 {offsets = [0], sizes = [1], strides = [1]} : vector<16xi32> to vector<1xi32>
    %squeeze3A_18 = vector.extract %slice3A_17[0] : i32 from vector<1xi32>
    %get3A_19 = arith.constant 0 : index
    %get3A_20 = tpu.vector_load %empty_ref3A_2[%get3A_19] {strides = array<i32>} : memref<16xi32, #tpu.memory_space<vmem>>, vector<16xi32>,
    %get3A_21 = vector.shape_cast %get3A_20 : vector<16xi32> to vector<16xi32>
    %slice3A_22 = vector.extract_strided_slice %get3A_21 {offsets = [0], sizes = [1], strides = [1]} : vector<16xi32> to vector<1xi32>
    %squeeze3A_23 = vector.extract %slice3A_22[0] : i32 from vector<1xi32>
    %get3A_24 = arith.constant 0 : index
    %get3A_25 = tpu.vector_load %empty_ref3A_3[%get3A_24] {strides = array<i32>} : memref<16xi32, #tpu.memory_space<vmem>>, vector<16xi32>,
    %get3A_26 = vector.shape_cast %get3A_25 : vector<16xi32> to vector<16xi32>
    %slice3A_27 = vector.extract_strided_slice %get3A_26 {offsets = [0], sizes = [1], strides = [1]} : vector<16xi32> to vector<1xi32>
    %squeeze3A_28 = vector.extract %slice3A_27[0] : i32 from vector<1xi32>
    %get3A_29 = arith.constant 0 : index
    %get3A_30 = tpu.vector_load %empty_ref3A_4[%get3A_29] {strides = array<i32>} : memref<16xi32, #tpu.memory_space<vmem>>, vector<16xi32>,
    %get3A_31 = vector.shape_cast %get3A_30 : vector<16xi32> to vector<16xi32>
    %slice3A_32 = vector.extract_strided_slice %get3A_31 {offsets = [0], sizes = [1], strides = [1]} : vector<16xi32> to vector<1xi32>
    %squeeze3A_33 = vector.extract %slice3A_32[0] : i32 from vector<1xi32>
    %get3A_34 = arith.constant 0 : index
    %get3A_35 = tpu.vector_load %empty_ref3A_5[%get3A_34] {strides = array<i32>} : memref<16xi32, #tpu.memory_space<vmem>>, vector<16xi32>,
    %get3A_36 = vector.shape_cast %get3A_35 : vector<16xi32> to vector<16xi32>
    %slice3A_37 = vector.extract_strided_slice %get3A_36 {offsets = [0], sizes = [1], strides = [1]} : vector<16xi32> to vector<1xi32>
    %squeeze3A_38 = vector.extract %slice3A_37[0] : i32 from vector<1xi32>
    %get3A_39 = arith.constant 0 : index
    %get3A_40 = tpu.vector_load %empty_ref3A_6[%get3A_39] {strides = array<i32>} : memref<16xi32, #tpu.memory_space<vmem>>, vector<16xi32>,
    %get3A_41 = vector.shape_cast %get3A_40 : vector<16xi32> to vector<16xi32>
    %slice3A_42 = vector.extract_strided_slice %get3A_41 {offsets = [0], sizes = [1], strides = [1]} : vector<16xi32> to vector<1xi32>
    %squeeze3A_43 = vector.extract %slice3A_42[0] : i32 from vector<1xi32>
    %broadcast_in_dim3A = arith.constant 0.000000e+00 : f32
    %broadcast_in_dim3A_44 = vector.broadcast %broadcast_in_dim3A : f32 to vector<16xf32>
    %broadcast_in_dim3A_45 = arith.constant 1.000000e+00 : f32
    %broadcast_in_dim3A_46 = vector.broadcast %broadcast_in_dim3A_45 : f32 to vector<16xf32>
    %swap3A = arith.constant 0 : index
    %swap3A_47 = tpu.vector_load %arg23[%swap3A] {strides = array<i32>} : memref<128xf32, #tpu.memory_space<vmem>>, vector<16xf32>,
    %swap3A_48 = vector.shape_cast %swap3A_47 : vector<16xf32> to vector<16xf32>
    %swap3A_49 = vector.shape_cast %broadcast_in_dim3A_46 : vector<16xf32> to vector<16xf32>
    tpu.vector_store %arg23[%swap3A], %swap3A_49 {strides = array<i32>} : memref<128xf32, #tpu.memory_space<vmem>>, vector<16xf32>,
    %swap3A_50 = arith.constant 16 : index
    %swap3A_51 = tpu.vector_load %arg23[%swap3A_50] {strides = array<i32>} : memref<128xf32, #tpu.memory_space<vmem>>, vector<16xf32>,
    %swap3A_52 = vector.shape_cast %swap3A_51 : vector<16xf32> to vector<16xf32>
    %swap3A_53 = vector.shape_cast %broadcast_in_dim3A_46 : vector<16xf32> to vector<16xf32>
    tpu.vector_store %arg23[%swap3A_50], %swap3A_53 {strides = array<i32>} : memref<128xf32, #tpu.memory_space<vmem>>, vector<16xf32>,
    %swap3A_54 = arith.constant 32 : index
    %swap3A_55 = tpu.vector_load %arg23[%swap3A_54] {strides = array<i32>} : memref<128xf32, #tpu.memory_space<vmem>>, vector<16xf32>,
    %swap3A_56 = vector.shape_cast %swap3A_55 : vector<16xf32> to vector<16xf32>
    %swap3A_57 = vector.shape_cast %broadcast_in_dim3A_46 : vector<16xf32> to vector<16xf32>
    tpu.vector_store %arg23[%swap3A_54], %swap3A_57 {strides = array<i32>} : memref<128xf32, #tpu.memory_space<vmem>>, vector<16xf32>,
    %swap3A_58 = arith.constant 48 : index
    %swap3A_59 = tpu.vector_load %arg23[%swap3A_58] {strides = array<i32>} : memref<128xf32, #tpu.memory_space<vmem>>, vector<16xf32>,
    %swap3A_60 = vector.shape_cast %swap3A_59 : vector<16xf32> to vector<16xf32>
    %swap3A_61 = vector.shape_cast %broadcast_in_dim3A_46 : vector<16xf32> to vector<16xf32>
    tpu.vector_store %arg23[%swap3A_58], %swap3A_61 {strides = array<i32>} : memref<128xf32, #tpu.memory_space<vmem>>, vector<16xf32>,
    %swap3A_62 = arith.constant 64 : index
    %swap3A_63 = tpu.vector_load %arg23[%swap3A_62] {strides = array<i32>} : memref<128xf32, #tpu.memory_space<vmem>>, vector<16xf32>,
    %swap3A_64 = vector.shape_cast %swap3A_63 : vector<16xf32> to vector<16xf32>
    %swap3A_65 = vector.shape_cast %broadcast_in_dim3A_46 : vector<16xf32> to vector<16xf32>
    tpu.vector_store %arg23[%swap3A_62], %swap3A_65 {strides = array<i32>} : memref<128xf32, #tpu.memory_space<vmem>>, vector<16xf32>,
    %swap3A_66 = arith.constant 80 : index
    %swap3A_67 = tpu.vector_load %arg23[%swap3A_66] {strides = array<i32>} : memref<128xf32, #tpu.memory_space<vmem>>, vector<16xf32>,
    %swap3A_68 = vector.shape_cast %swap3A_67 : vector<16xf32> to vector<16xf32>
    %swap3A_69 = vector.shape_cast %broadcast_in_dim3A_46 : vector<16xf32> to vector<16xf32>
    tpu.vector_store %arg23[%swap3A_66], %swap3A_69 {strides = array<i32>} : memref<128xf32, #tpu.memory_space<vmem>>, vector<16xf32>,
    %swap3A_70 = arith.constant 96 : index
    %swap3A_71 = tpu.vector_load %arg23[%swap3A_70] {strides = array<i32>} : memref<128xf32, #tpu.memory_space<vmem>>, vector<16xf32>,
    %swap3A_72 = vector.shape_cast %swap3A_71 : vector<16xf32> to vector<16xf32>
    %swap3A_73 = vector.shape_cast %broadcast_in_dim3A_46 : vector<16xf32> to vector<16xf32>
    tpu.vector_store %arg23[%swap3A_70], %swap3A_73 {strides = array<i32>} : memref<128xf32, #tpu.memory_space<vmem>>, vector<16xf32>,
    %swap3A_74 = arith.constant 112 : index
    %swap3A_75 = tpu.vector_load %arg23[%swap3A_74] {strides = array<i32>} : memref<128xf32, #tpu.memory_space<vmem>>, vector<16xf32>,
    %swap3A_76 = vector.shape_cast %swap3A_75 : vector<16xf32> to vector<16xf32>
    %swap3A_77 = vector.shape_cast %broadcast_in_dim3A_46 : vector<16xf32> to vector<16xf32>
    tpu.vector_store %arg23[%swap3A_74], %swap3A_77 {strides = array<i32>} : memref<128xf32, #tpu.memory_space<vmem>>, vector<16xf32>,
    %scan3A = arith.constant 0 : i32
    %scan3A_78 = arith.constant 0 : i32
    %scan3A_79 = arith.constant 64 : i32
    %scan3A_80 = arith.addi %scan3A_78, %scan3A_79 : i32
    %scan3A_81 = arith.constant 1 : i32
    scf.for %scan3A_137 = %scan3A_78 to %scan3A_80 step %scan3A_81  : i32 {
      %swap3A_138 = arith.index_cast %scan3A_137 : i32 to index
      %swap3A_139 = arith.constant 0 : index
      %swap3A_140 = tpu.vector_load %arg21[%swap3A_138, %swap3A_139] {strides = array<i32>} : memref<64x128xf32, #tpu.memory_space<vmem>>, vector<1x16xf32>,
      %swap3A_141 = vector.shape_cast %swap3A_140 : vector<1x16xf32> to vector<16xf32>
      %swap3A_142 = vector.shape_cast %broadcast_in_dim3A_44 : vector<16xf32> to vector<1x16xf32>
      tpu.vector_store %arg21[%swap3A_138, %swap3A_139], %swap3A_142 {strides = array<i32>} : memref<64x128xf32, #tpu.memory_space<vmem>>, vector<1x16xf32>,
      %swap3A_143 = arith.index_cast %scan3A_137 : i32 to index
      %swap3A_144 = arith.constant 16 : index
      %swap3A_145 = tpu.vector_load %arg21[%swap3A_143, %swap3A_144] {strides = array<i32>} : memref<64x128xf32, #tpu.memory_space<vmem>>, vector<1x16xf32>,
      %swap3A_146 = vector.shape_cast %swap3A_145 : vector<1x16xf32> to vector<16xf32>
      %swap3A_147 = vector.shape_cast %broadcast_in_dim3A_44 : vector<16xf32> to vector<1x16xf32>
      tpu.vector_store %arg21[%swap3A_143, %swap3A_144], %swap3A_147 {strides = array<i32>} : memref<64x128xf32, #tpu.memory_space<vmem>>, vector<1x16xf32>,
      %swap3A_148 = arith.index_cast %scan3A_137 : i32 to index
      %swap3A_149 = arith.constant 32 : index
      %swap3A_150 = tpu.vector_load %arg21[%swap3A_148, %swap3A_149] {strides = array<i32>} : memref<64x128xf32, #tpu.memory_space<vmem>>, vector<1x16xf32>,
      %swap3A_151 = vector.shape_cast %swap3A_150 : vector<1x16xf32> to vector<16xf32>
      %swap3A_152 = vector.shape_cast %broadcast_in_dim3A_44 : vector<16xf32> to vector<1x16xf32>
      tpu.vector_store %arg21[%swap3A_148, %swap3A_149], %swap3A_152 {strides = array<i32>} : memref<64x128xf32, #tpu.memory_space<vmem>>, vector<1x16xf32>,
      %swap3A_153 = arith.index_cast %scan3A_137 : i32 to index
      %swap3A_154 = arith.constant 48 : index
      %swap3A_155 = tpu.vector_load %arg21[%swap3A_153, %swap3A_154] {strides = array<i32>} : memref<64x128xf32, #tpu.memory_space<vmem>>, vector<1x16xf32>,
      %swap3A_156 = vector.shape_cast %swap3A_155 : vector<1x16xf32> to vector<16xf32>
      %swap3A_157 = vector.shape_cast %broadcast_in_dim3A_44 : vector<16xf32> to vector<1x16xf32>
      tpu.vector_store %arg21[%swap3A_153, %swap3A_154], %swap3A_157 {strides = array<i32>} : memref<64x128xf32, #tpu.memory_space<vmem>>, vector<1x16xf32>,
      %swap3A_158 = arith.index_cast %scan3A_137 : i32 to index
      %swap3A_159 = arith.constant 64 : index
      %swap3A_160 = tpu.vector_load %arg21[%swap3A_158, %swap3A_159] {strides = array<i32>} : memref<64x128xf32, #tpu.memory_space<vmem>>, vector<1x16xf32>,
      %swap3A_161 = vector.shape_cast %swap3A_160 : vector<1x16xf32> to vector<16xf32>
      %swap3A_162 = vector.shape_cast %broadcast_in_dim3A_44 : vector<16xf32> to vector<1x16xf32>
      tpu.vector_store %arg21[%swap3A_158, %swap3A_159], %swap3A_162 {strides = array<i32>} : memref<64x128xf32, #tpu.memory_space<vmem>>, vector<1x16xf32>,
      %swap3A_163 = arith.index_cast %scan3A_137 : i32 to index
      %swap3A_164 = arith.constant 80 : index
      %swap3A_165 = tpu.vector_load %arg21[%swap3A_163, %swap3A_164] {strides = array<i32>} : memref<64x128xf32, #tpu.memory_space<vmem>>, vector<1x16xf32>,
      %swap3A_166 = vector.shape_cast %swap3A_165 : vector<1x16xf32> to vector<16xf32>
      %swap3A_167 = vector.shape_cast %broadcast_in_dim3A_44 : vector<16xf32> to vector<1x16xf32>
      tpu.vector_store %arg21[%swap3A_163, %swap3A_164], %swap3A_167 {strides = array<i32>} : memref<64x128xf32, #tpu.memory_space<vmem>>, vector<1x16xf32>,
      %swap3A_168 = arith.index_cast %scan3A_137 : i32 to index
      %swap3A_169 = arith.constant 96 : index
      %swap3A_170 = tpu.vector_load %arg21[%swap3A_168, %swap3A_169] {strides = array<i32>} : memref<64x128xf32, #tpu.memory_space<vmem>>, vector<1x16xf32>,
      %swap3A_171 = vector.shape_cast %swap3A_170 : vector<1x16xf32> to vector<16xf32>
      %swap3A_172 = vector.shape_cast %broadcast_in_dim3A_44 : vector<16xf32> to vector<1x16xf32>
      tpu.vector_store %arg21[%swap3A_168, %swap3A_169], %swap3A_172 {strides = array<i32>} : memref<64x128xf32, #tpu.memory_space<vmem>>, vector<1x16xf32>,
      %swap3A_173 = arith.index_cast %scan3A_137 : i32 to index
      %swap3A_174 = arith.constant 112 : index
      %swap3A_175 = tpu.vector_load %arg21[%swap3A_173, %swap3A_174] {strides = array<i32>} : memref<64x128xf32, #tpu.memory_space<vmem>>, vector<1x16xf32>,
      %swap3A_176 = vector.shape_cast %swap3A_175 : vector<1x16xf32> to vector<16xf32>
      %swap3A_177 = vector.shape_cast %broadcast_in_dim3A_44 : vector<16xf32> to vector<1x16xf32>
      tpu.vector_store %arg21[%swap3A_173, %swap3A_174], %swap3A_177 {strides = array<i32>} : memref<64x128xf32, #tpu.memory_space<vmem>>, vector<1x16xf32>,
    }
    %scan3A_82 = arith.constant 64 : i32
    %scan3A_83 = arith.constant 0 : i32
    %scan3A_84 = arith.constant 0 : i32
    %scan3A_85 = arith.constant 125 : i32
    %scan3A_86 = arith.addi %scan3A_84, %scan3A_85 : i32
    %scan3A_87 = arith.constant 1 : i32
    scf.for %scan3A_137 = %scan3A_84 to %scan3A_86 step %scan3A_87  : i32 {
      %mul3A_138 = arith.constant 16 : i32
      %mul3A_139 = arith.muli %scan3A_137, %mul3A_138 : i32
      %swap3A_140 = arith.index_cast %mul3A_139 : i32 to index
      %swap3A_141 = tpu.vector_load %arg22[%swap3A_140] {strides = array<i32>} : memref<2000xf32, #tpu.memory_space<vmem>>, vector<16xf32>,
      %swap3A_142 = vector.shape_cast %swap3A_141 : vector<16xf32> to vector<16xf32>
      %swap3A_143 = vector.shape_cast %broadcast_in_dim3A_44 : vector<16xf32> to vector<16xf32>
      tpu.vector_store %arg22[%swap3A_140], %swap3A_143 {strides = array<i32>} : memref<2000xf32, #tpu.memory_space<vmem>>, vector<16xf32>,
    }
    %scan3A_88 = arith.constant 125 : i32
    %mul3A = arith.constant 624 : i32
    %mul3A_89 = arith.muli %arg1, %mul3A : i32
    %add3A = arith.constant 0 : i32
    %add3A_90 = arith.addi %mul3A_89, %add3A : i32
    "tpu.region"() ({
      %run_scoped3A = tpu.sem_alloc : memref<!tpu.dma_semaphore, #tpu.memory_space<semaphore_mem>>
      %dma_start3A = arith.constant 0 : i32
      %dma_start3A_137 = tpu.memref_slice %arg24[%add3A_90, %dma_start3A] : memref<10008x128xf32, #tpu.memory_space<vmem_shared>> -> memref<64x128xf32, #tpu.memory_space<vmem_shared>>
      %dma_start3A_138 = arith.constant 0 : i32
      %dma_start3A_139 = tpu.memref_slice %arg24[%add3A_90, %dma_start3A_138] : memref<10008x128xf32, #tpu.memory_space<vmem_shared>> -> memref<64x128xf32, #tpu.memory_space<vmem_shared>>
      tpu.enqueue_dma source(%arg21 : memref<64x128xf32, #tpu.memory_space<vmem>>) target(%dma_start3A_139 : memref<64x128xf32, #tpu.memory_space<vmem_shared>>) target_semaphore(%run_scoped3A : memref<!tpu.dma_semaphore, #tpu.memory_space<semaphore_mem>>)
      %dma_wait3A = arith.constant 0 : i32
      %dma_wait3A_140 = tpu.memref_slice %arg24[%add3A_90, %dma_wait3A] : memref<10008x128xf32, #tpu.memory_space<vmem_shared>> -> memref<64x128xf32, #tpu.memory_space<vmem_shared>>
      %dma_wait3A_141 = arith.constant 0 : i32
      %dma_wait3A_142 = tpu.memref_slice %arg24[%add3A_90, %dma_wait3A_141] : memref<10008x128xf32, #tpu.memory_space<vmem_shared>> -> memref<64x128xf32, #tpu.memory_space<vmem_shared>>
      tpu.wait_dma2 semaphore(%run_scoped3A : memref<!tpu.dma_semaphore, #tpu.memory_space<semaphore_mem>>) src(%arg21 : memref<64x128xf32, #tpu.memory_space<vmem>>) dst(%dma_wait3A_142 : memref<64x128xf32, #tpu.memory_space<vmem_shared>>)
      tpu.yield
    }) : () -> ()
    %add3A_91 = arith.constant 64 : i32
    %add3A_92 = arith.addi %mul3A_89, %add3A_91 : i32
    "tpu.region"() ({
      %run_scoped3A = tpu.sem_alloc : memref<!tpu.dma_semaphore, #tpu.memory_space<semaphore_mem>>
      %dma_start3A = arith.constant 0 : i32
      %dma_start3A_137 = tpu.memref_slice %arg24[%add3A_92, %dma_start3A] : memref<10008x128xf32, #tpu.memory_space<vmem_shared>> -> memref<64x128xf32, #tpu.memory_space<vmem_shared>>
      %dma_start3A_138 = arith.constant 0 : i32
      %dma_start3A_139 = tpu.memref_slice %arg24[%add3A_92, %dma_start3A_138] : memref<10008x128xf32, #tpu.memory_space<vmem_shared>> -> memref<64x128xf32, #tpu.memory_space<vmem_shared>>
      tpu.enqueue_dma source(%arg21 : memref<64x128xf32, #tpu.memory_space<vmem>>) target(%dma_start3A_139 : memref<64x128xf32, #tpu.memory_space<vmem_shared>>) target_semaphore(%run_scoped3A : memref<!tpu.dma_semaphore, #tpu.memory_space<semaphore_mem>>)
      %dma_wait3A = arith.constant 0 : i32
      %dma_wait3A_140 = tpu.memref_slice %arg24[%add3A_92, %dma_wait3A] : memref<10008x128xf32, #tpu.memory_space<vmem_shared>> -> memref<64x128xf32, #tpu.memory_space<vmem_shared>>
      %dma_wait3A_141 = arith.constant 0 : i32
      %dma_wait3A_142 = tpu.memref_slice %arg24[%add3A_92, %dma_wait3A_141] : memref<10008x128xf32, #tpu.memory_space<vmem_shared>> -> memref<64x128xf32, #tpu.memory_space<vmem_shared>>
      tpu.wait_dma2 semaphore(%run_scoped3A : memref<!tpu.dma_semaphore, #tpu.memory_space<semaphore_mem>>) src(%arg21 : memref<64x128xf32, #tpu.memory_space<vmem>>) dst(%dma_wait3A_142 : memref<64x128xf32, #tpu.memory_space<vmem_shared>>)
      tpu.yield
    }) : () -> ()
    %add3A_93 = arith.constant 128 : i32
    %add3A_94 = arith.addi %mul3A_89, %add3A_93 : i32
    "tpu.region"() ({
      %run_scoped3A = tpu.sem_alloc : memref<!tpu.dma_semaphore, #tpu.memory_space<semaphore_mem>>
      %dma_start3A = arith.constant 0 : i32
      %dma_start3A_137 = tpu.memref_slice %arg24[%add3A_94, %dma_start3A] : memref<10008x128xf32, #tpu.memory_space<vmem_shared>> -> memref<64x128xf32, #tpu.memory_space<vmem_shared>>
      %dma_start3A_138 = arith.constant 0 : i32
      %dma_start3A_139 = tpu.memref_slice %arg24[%add3A_94, %dma_start3A_138] : memref<10008x128xf32, #tpu.memory_space<vmem_shared>> -> memref<64x128xf32, #tpu.memory_space<vmem_shared>>
      tpu.enqueue_dma source(%arg21 : memref<64x128xf32, #tpu.memory_space<vmem>>) target(%dma_start3A_139 : memref<64x128xf32, #tpu.memory_space<vmem_shared>>) target_semaphore(%run_scoped3A : memref<!tpu.dma_semaphore, #tpu.memory_space<semaphore_mem>>)
      %dma_wait3A = arith.constant 0 : i32
      %dma_wait3A_140 = tpu.memref_slice %arg24[%add3A_94, %dma_wait3A] : memref<10008x128xf32, #tpu.memory_space<vmem_shared>> -> memref<64x128xf32, #tpu.memory_space<vmem_shared>>
      %dma_wait3A_141 = arith.constant 0 : i32
      %dma_wait3A_142 = tpu.memref_slice %arg24[%add3A_94, %dma_wait3A_141] : memref<10008x128xf32, #tpu.memory_space<vmem_shared>> -> memref<64x128xf32, #tpu.memory_space<vmem_shared>>
      tpu.wait_dma2 semaphore(%run_scoped3A : memref<!tpu.dma_semaphore, #tpu.memory_space<semaphore_mem>>) src(%arg21 : memref<64x128xf32, #tpu.memory_space<vmem>>) dst(%dma_wait3A_142 : memref<64x128xf32, #tpu.memory_space<vmem_shared>>)
      tpu.yield
    }) : () -> ()
    %add3A_95 = arith.constant 192 : i32
    %add3A_96 = arith.addi %mul3A_89, %add3A_95 : i32
    "tpu.region"() ({
      %run_scoped3A = tpu.sem_alloc : memref<!tpu.dma_semaphore, #tpu.memory_space<semaphore_mem>>
      %dma_start3A = arith.constant 0 : i32
      %dma_start3A_137 = tpu.memref_slice %arg24[%add3A_96, %dma_start3A] : memref<10008x128xf32, #tpu.memory_space<vmem_shared>> -> memref<64x128xf32, #tpu.memory_space<vmem_shared>>
      %dma_start3A_138 = arith.constant 0 : i32
      %dma_start3A_139 = tpu.memref_slice %arg24[%add3A_96, %dma_start3A_138] : memref<10008x128xf32, #tpu.memory_space<vmem_shared>> -> memref<64x128xf32, #tpu.memory_space<vmem_shared>>
      tpu.enqueue_dma source(%arg21 : memref<64x128xf32, #tpu.memory_space<vmem>>) target(%dma_start3A_139 : memref<64x128xf32, #tpu.memory_space<vmem_shared>>) target_semaphore(%run_scoped3A : memref<!tpu.dma_semaphore, #tpu.memory_space<semaphore_mem>>)
      %dma_wait3A = arith.constant 0 : i32
      %dma_wait3A_140 = tpu.memref_slice %arg24[%add3A_96, %dma_wait3A] : memref<10008x128xf32, #tpu.memory_space<vmem_shared>> -> memref<64x128xf32, #tpu.memory_space<vmem_shared>>
      %dma_wait3A_141 = arith.constant 0 : i32
      %dma_wait3A_142 = tpu.memref_slice %arg24[%add3A_96, %dma_wait3A_141] : memref<10008x128xf32, #tpu.memory_space<vmem_shared>> -> memref<64x128xf32, #tpu.memory_space<vmem_shared>>
      tpu.wait_dma2 semaphore(%run_scoped3A : memref<!tpu.dma_semaphore, #tpu.memory_space<semaphore_mem>>) src(%arg21 : memref<64x128xf32, #tpu.memory_space<vmem>>) dst(%dma_wait3A_142 : memref<64x128xf32, #tpu.memory_space<vmem_shared>>)
      tpu.yield
    }) : () -> ()
    %add3A_97 = arith.constant 256 : i32
    %add3A_98 = arith.addi %mul3A_89, %add3A_97 : i32
    "tpu.region"() ({
      %run_scoped3A = tpu.sem_alloc : memref<!tpu.dma_semaphore, #tpu.memory_space<semaphore_mem>>
      %dma_start3A = arith.constant 0 : i32
      %dma_start3A_137 = tpu.memref_slice %arg24[%add3A_98, %dma_start3A] : memref<10008x128xf32, #tpu.memory_space<vmem_shared>> -> memref<64x128xf32, #tpu.memory_space<vmem_shared>>
      %dma_start3A_138 = arith.constant 0 : i32
      %dma_start3A_139 = tpu.memref_slice %arg24[%add3A_98, %dma_start3A_138] : memref<10008x128xf32, #tpu.memory_space<vmem_shared>> -> memref<64x128xf32, #tpu.memory_space<vmem_shared>>
      tpu.enqueue_dma source(%arg21 : memref<64x128xf32, #tpu.memory_space<vmem>>) target(%dma_start3A_139 : memref<64x128xf32, #tpu.memory_space<vmem_shared>>) target_semaphore(%run_scoped3A : memref<!tpu.dma_semaphore, #tpu.memory_space<semaphore_mem>>)
      %dma_wait3A = arith.constant 0 : i32
      %dma_wait3A_140 = tpu.memref_slice %arg24[%add3A_98, %dma_wait3A] : memref<10008x128xf32, #tpu.memory_space<vmem_shared>> -> memref<64x128xf32, #tpu.memory_space<vmem_shared>>
      %dma_wait3A_141 = arith.constant 0 : i32
      %dma_wait3A_142 = tpu.memref_slice %arg24[%add3A_98, %dma_wait3A_141] : memref<10008x128xf32, #tpu.memory_space<vmem_shared>> -> memref<64x128xf32, #tpu.memory_space<vmem_shared>>
      tpu.wait_dma2 semaphore(%run_scoped3A : memref<!tpu.dma_semaphore, #tpu.memory_space<semaphore_mem>>) src(%arg21 : memref<64x128xf32, #tpu.memory_space<vmem>>) dst(%dma_wait3A_142 : memref<64x128xf32, #tpu.memory_space<vmem_shared>>)
      tpu.yield
    }) : () -> ()
    %add3A_99 = arith.constant 320 : i32
    %add3A_100 = arith.addi %mul3A_89, %add3A_99 : i32
    "tpu.region"() ({
      %run_scoped3A = tpu.sem_alloc : memref<!tpu.dma_semaphore, #tpu.memory_space<semaphore_mem>>
      %dma_start3A = arith.constant 0 : i32
      %dma_start3A_137 = tpu.memref_slice %arg24[%add3A_100, %dma_start3A] : memref<10008x128xf32, #tpu.memory_space<vmem_shared>> -> memref<64x128xf32, #tpu.memory_space<vmem_shared>>
      %dma_start3A_138 = arith.constant 0 : i32
      %dma_start3A_139 = tpu.memref_slice %arg24[%add3A_100, %dma_start3A_138] : memref<10008x128xf32, #tpu.memory_space<vmem_shared>> -> memref<64x128xf32, #tpu.memory_space<vmem_shared>>
      tpu.enqueue_dma source(%arg21 : memref<64x128xf32, #tpu.memory_space<vmem>>) target(%dma_start3A_139 : memref<64x128xf32, #tpu.memory_space<vmem_shared>>) target_semaphore(%run_scoped3A : memref<!tpu.dma_semaphore, #tpu.memory_space<semaphore_mem>>)
      %dma_wait3A = arith.constant 0 : i32
      %dma_wait3A_140 = tpu.memref_slice %arg24[%add3A_100, %dma_wait3A] : memref<10008x128xf32, #tpu.memory_space<vmem_shared>> -> memref<64x128xf32, #tpu.memory_space<vmem_shared>>
      %dma_wait3A_141 = arith.constant 0 : i32
      %dma_wait3A_142 = tpu.memref_slice %arg24[%add3A_100, %dma_wait3A_141] : memref<10008x128xf32, #tpu.memory_space<vmem_shared>> -> memref<64x128xf32, #tpu.memory_space<vmem_shared>>
      tpu.wait_dma2 semaphore(%run_scoped3A : memref<!tpu.dma_semaphore, #tpu.memory_space<semaphore_mem>>) src(%arg21 : memref<64x128xf32, #tpu.memory_space<vmem>>) dst(%dma_wait3A_142 : memref<64x128xf32, #tpu.memory_space<vmem_shared>>)
      tpu.yield
    }) : () -> ()
    %add3A_101 = arith.constant 384 : i32
    %add3A_102 = arith.addi %mul3A_89, %add3A_101 : i32
    "tpu.region"() ({
      %run_scoped3A = tpu.sem_alloc : memref<!tpu.dma_semaphore, #tpu.memory_space<semaphore_mem>>
      %dma_start3A = arith.constant 0 : i32
      %dma_start3A_137 = tpu.memref_slice %arg24[%add3A_102, %dma_start3A] : memref<10008x128xf32, #tpu.memory_space<vmem_shared>> -> memref<64x128xf32, #tpu.memory_space<vmem_shared>>
      %dma_start3A_138 = arith.constant 0 : i32
      %dma_start3A_139 = tpu.memref_slice %arg24[%add3A_102, %dma_start3A_138] : memref<10008x128xf32, #tpu.memory_space<vmem_shared>> -> memref<64x128xf32, #tpu.memory_space<vmem_shared>>
      tpu.enqueue_dma source(%arg21 : memref<64x128xf32, #tpu.memory_space<vmem>>) target(%dma_start3A_139 : memref<64x128xf32, #tpu.memory_space<vmem_shared>>) target_semaphore(%run_scoped3A : memref<!tpu.dma_semaphore, #tpu.memory_space<semaphore_mem>>)
      %dma_wait3A = arith.constant 0 : i32
      %dma_wait3A_140 = tpu.memref_slice %arg24[%add3A_102, %dma_wait3A] : memref<10008x128xf32, #tpu.memory_space<vmem_shared>> -> memref<64x128xf32, #tpu.memory_space<vmem_shared>>
      %dma_wait3A_141 = arith.constant 0 : i32
      %dma_wait3A_142 = tpu.memref_slice %arg24[%add3A_102, %dma_wait3A_141] : memref<10008x128xf32, #tpu.memory_space<vmem_shared>> -> memref<64x128xf32, #tpu.memory_space<vmem_shared>>
      tpu.wait_dma2 semaphore(%run_scoped3A : memref<!tpu.dma_semaphore, #tpu.memory_space<semaphore_mem>>) src(%arg21 : memref<64x128xf32, #tpu.memory_space<vmem>>) dst(%dma_wait3A_142 : memref<64x128xf32, #tpu.memory_space<vmem_shared>>)
      tpu.yield
    }) : () -> ()
    %add3A_103 = arith.constant 448 : i32
    %add3A_104 = arith.addi %mul3A_89, %add3A_103 : i32
    "tpu.region"() ({
      %run_scoped3A = tpu.sem_alloc : memref<!tpu.dma_semaphore, #tpu.memory_space<semaphore_mem>>
      %dma_start3A = arith.constant 0 : i32
      %dma_start3A_137 = tpu.memref_slice %arg24[%add3A_104, %dma_start3A] : memref<10008x128xf32, #tpu.memory_space<vmem_shared>> -> memref<64x128xf32, #tpu.memory_space<vmem_shared>>
      %dma_start3A_138 = arith.constant 0 : i32
      %dma_start3A_139 = tpu.memref_slice %arg24[%add3A_104, %dma_start3A_138] : memref<10008x128xf32, #tpu.memory_space<vmem_shared>> -> memref<64x128xf32, #tpu.memory_space<vmem_shared>>
      tpu.enqueue_dma source(%arg21 : memref<64x128xf32, #tpu.memory_space<vmem>>) target(%dma_start3A_139 : memref<64x128xf32, #tpu.memory_space<vmem_shared>>) target_semaphore(%run_scoped3A : memref<!tpu.dma_semaphore, #tpu.memory_space<semaphore_mem>>)
      %dma_wait3A = arith.constant 0 : i32
      %dma_wait3A_140 = tpu.memref_slice %arg24[%add3A_104, %dma_wait3A] : memref<10008x128xf32, #tpu.memory_space<vmem_shared>> -> memref<64x128xf32, #tpu.memory_space<vmem_shared>>
      %dma_wait3A_141 = arith.constant 0 : i32
      %dma_wait3A_142 = tpu.memref_slice %arg24[%add3A_104, %dma_wait3A_141] : memref<10008x128xf32, #tpu.memory_space<vmem_shared>> -> memref<64x128xf32, #tpu.memory_space<vmem_shared>>
      tpu.wait_dma2 semaphore(%run_scoped3A : memref<!tpu.dma_semaphore, #tpu.memory_space<semaphore_mem>>) src(%arg21 : memref<64x128xf32, #tpu.memory_space<vmem>>) dst(%dma_wait3A_142 : memref<64x128xf32, #tpu.memory_space<vmem_shared>>)
      tpu.yield
    }) : () -> ()
    %add3A_105 = arith.constant 512 : i32
    %add3A_106 = arith.addi %mul3A_89, %add3A_105 : i32
    "tpu.region"() ({
      %run_scoped3A = tpu.sem_alloc : memref<!tpu.dma_semaphore, #tpu.memory_space<semaphore_mem>>
      %dma_start3A = arith.constant 0 : i32
      %dma_start3A_137 = tpu.memref_slice %arg24[%add3A_106, %dma_start3A] : memref<10008x128xf32, #tpu.memory_space<vmem_shared>> -> memref<64x128xf32, #tpu.memory_space<vmem_shared>>
      %dma_start3A_138 = arith.constant 0 : i32
      %dma_start3A_139 = tpu.memref_slice %arg24[%add3A_106, %dma_start3A_138] : memref<10008x128xf32, #tpu.memory_space<vmem_shared>> -> memref<64x128xf32, #tpu.memory_space<vmem_shared>>
      tpu.enqueue_dma source(%arg21 : memref<64x128xf32, #tpu.memory_space<vmem>>) target(%dma_start3A_139 : memref<64x128xf32, #tpu.memory_space<vmem_shared>>) target_semaphore(%run_scoped3A : memref<!tpu.dma_semaphore, #tpu.memory_space<semaphore_mem>>)
      %dma_wait3A = arith.constant 0 : i32
      %dma_wait3A_140 = tpu.memref_slice %arg24[%add3A_106, %dma_wait3A] : memref<10008x128xf32, #tpu.memory_space<vmem_shared>> -> memref<64x128xf32, #tpu.memory_space<vmem_shared>>
      %dma_wait3A_141 = arith.constant 0 : i32
      %dma_wait3A_142 = tpu.memref_slice %arg24[%add3A_106, %dma_wait3A_141] : memref<10008x128xf32, #tpu.memory_space<vmem_shared>> -> memref<64x128xf32, #tpu.memory_space<vmem_shared>>
      tpu.wait_dma2 semaphore(%run_scoped3A : memref<!tpu.dma_semaphore, #tpu.memory_space<semaphore_mem>>) src(%arg21 : memref<64x128xf32, #tpu.memory_space<vmem>>) dst(%dma_wait3A_142 : memref<64x128xf32, #tpu.memory_space<vmem_shared>>)
      tpu.yield
    }) : () -> ()
    %add3A_107 = arith.constant 576 : i32
    %add3A_108 = arith.addi %mul3A_89, %add3A_107 : i32
    "tpu.region"() ({
      %run_scoped3A = tpu.sem_alloc : memref<!tpu.dma_semaphore, #tpu.memory_space<semaphore_mem>>
      %dma_start3A = arith.constant 0 : i32
      %dma_start3A_137 = arith.constant 0 : i32
      %dma_start3A_138 = tpu.memref_slice %arg21[%dma_start3A, %dma_start3A_137] : memref<64x128xf32, #tpu.memory_space<vmem>> -> memref<48x128xf32, #tpu.memory_space<vmem>>
      %dma_start3A_139 = arith.constant 0 : i32
      %dma_start3A_140 = tpu.memref_slice %arg24[%add3A_108, %dma_start3A_139] : memref<10008x128xf32, #tpu.memory_space<vmem_shared>> -> memref<48x128xf32, #tpu.memory_space<vmem_shared>>
      %dma_start3A_141 = arith.constant 0 : i32
      %dma_start3A_142 = tpu.memref_slice %arg24[%add3A_108, %dma_start3A_141] : memref<10008x128xf32, #tpu.memory_space<vmem_shared>> -> memref<48x128xf32, #tpu.memory_space<vmem_shared>>
      %dma_start3A_143 = arith.constant 0 : i32
      %dma_start3A_144 = arith.constant 0 : i32
      %dma_start3A_145 = tpu.memref_slice %arg21[%dma_start3A_143, %dma_start3A_144] : memref<64x128xf32, #tpu.memory_space<vmem>> -> memref<48x128xf32, #tpu.memory_space<vmem>>
      tpu.enqueue_dma source(%dma_start3A_145 : memref<48x128xf32, #tpu.memory_space<vmem>>) target(%dma_start3A_142 : memref<48x128xf32, #tpu.memory_space<vmem_shared>>) target_semaphore(%run_scoped3A : memref<!tpu.dma_semaphore, #tpu.memory_space<semaphore_mem>>)
      %dma_wait3A = arith.constant 0 : i32
      %dma_wait3A_146 = arith.constant 0 : i32
      %dma_wait3A_147 = tpu.memref_slice %arg21[%dma_wait3A, %dma_wait3A_146] : memref<64x128xf32, #tpu.memory_space<vmem>> -> memref<48x128xf32, #tpu.memory_space<vmem>>
      %dma_wait3A_148 = arith.constant 0 : i32
      %dma_wait3A_149 = tpu.memref_slice %arg24[%add3A_108, %dma_wait3A_148] : memref<10008x128xf32, #tpu.memory_space<vmem_shared>> -> memref<48x128xf32, #tpu.memory_space<vmem_shared>>
      %dma_wait3A_150 = arith.constant 0 : i32
      %dma_wait3A_151 = tpu.memref_slice %arg24[%add3A_108, %dma_wait3A_150] : memref<10008x128xf32, #tpu.memory_space<vmem_shared>> -> memref<48x128xf32, #tpu.memory_space<vmem_shared>>
      %dma_wait3A_152 = arith.constant 0 : i32
      %dma_wait3A_153 = arith.constant 0 : i32
      %dma_wait3A_154 = tpu.memref_slice %arg21[%dma_wait3A_152, %dma_wait3A_153] : memref<64x128xf32, #tpu.memory_space<vmem>> -> memref<48x128xf32, #tpu.memory_space<vmem>>
      tpu.wait_dma2 semaphore(%run_scoped3A : memref<!tpu.dma_semaphore, #tpu.memory_space<semaphore_mem>>) src(%dma_wait3A_154 : memref<48x128xf32, #tpu.memory_space<vmem>>) dst(%dma_wait3A_151 : memref<48x128xf32, #tpu.memory_space<vmem_shared>>)
      tpu.yield
    }) : () -> ()
    %eq3A = arith.constant 15 : i32
    %eq3A_109 = arith.cmpi eq, %arg1, %eq3A : i32
    %convert_element_type3A = arith.extui %eq3A_109 : i1 to i32
    %cond3A = arith.constant 0 : i32
    %cond3A_110 = arith.cmpi ne, %convert_element_type3A, %cond3A : i32
    scf.if %cond3A_110 {
      "tpu.region"() ({
        %run_scoped3A = tpu.sem_alloc : memref<!tpu.dma_semaphore, #tpu.memory_space<semaphore_mem>>
        %dma_start3A = arith.constant 0 : i32
        %dma_start3A_137 = arith.constant 0 : i32
        %dma_start3A_138 = tpu.memref_slice %arg21[%dma_start3A, %dma_start3A_137] : memref<64x128xf32, #tpu.memory_space<vmem>> -> memref<24x128xf32, #tpu.memory_space<vmem>>
        %dma_start3A_139 = arith.constant 9984 : i32
        %dma_start3A_140 = arith.constant 0 : i32
        %dma_start3A_141 = tpu.memref_slice %arg24[%dma_start3A_139, %dma_start3A_140] : memref<10008x128xf32, #tpu.memory_space<vmem_shared>> -> memref<24x128xf32, #tpu.memory_space<vmem_shared>>
        %dma_start3A_142 = arith.constant 9984 : i32
        %dma_start3A_143 = arith.constant 0 : i32
        %dma_start3A_144 = tpu.memref_slice %arg24[%dma_start3A_142, %dma_start3A_143] : memref<10008x128xf32, #tpu.memory_space<vmem_shared>> -> memref<24x128xf32, #tpu.memory_space<vmem_shared>>
        %dma_start3A_145 = arith.constant 0 : i32
        %dma_start3A_146 = arith.constant 0 : i32
        %dma_start3A_147 = tpu.memref_slice %arg21[%dma_start3A_145, %dma_start3A_146] : memref<64x128xf32, #tpu.memory_space<vmem>> -> memref<24x128xf32, #tpu.memory_space<vmem>>
        tpu.enqueue_dma source(%dma_start3A_147 : memref<24x128xf32, #tpu.memory_space<vmem>>) target(%dma_start3A_144 : memref<24x128xf32, #tpu.memory_space<vmem_shared>>) target_semaphore(%run_scoped3A : memref<!tpu.dma_semaphore, #tpu.memory_space<semaphore_mem>>)
        %dma_wait3A = arith.constant 0 : i32
        %dma_wait3A_148 = arith.constant 0 : i32
        %dma_wait3A_149 = tpu.memref_slice %arg21[%dma_wait3A, %dma_wait3A_148] : memref<64x128xf32, #tpu.memory_space<vmem>> -> memref<24x128xf32, #tpu.memory_space<vmem>>
        %dma_wait3A_150 = arith.constant 9984 : i32
        %dma_wait3A_151 = arith.constant 0 : i32
        %dma_wait3A_152 = tpu.memref_slice %arg24[%dma_wait3A_150, %dma_wait3A_151] : memref<10008x128xf32, #tpu.memory_space<vmem_shared>> -> memref<24x128xf32, #tpu.memory_space<vmem_shared>>
        %dma_wait3A_153 = arith.constant 9984 : i32
        %dma_wait3A_154 = arith.constant 0 : i32
        %dma_wait3A_155 = tpu.memref_slice %arg24[%dma_wait3A_153, %dma_wait3A_154] : memref<10008x128xf32, #tpu.memory_space<vmem_shared>> -> memref<24x128xf32, #tpu.memory_space<vmem_shared>>
        %dma_wait3A_156 = arith.constant 0 : i32
        %dma_wait3A_157 = arith.constant 0 : i32
        %dma_wait3A_158 = tpu.memref_slice %arg21[%dma_wait3A_156, %dma_wait3A_157] : memref<64x128xf32, #tpu.memory_space<vmem>> -> memref<24x128xf32, #tpu.memory_space<vmem>>
        tpu.wait_dma2 semaphore(%run_scoped3A : memref<!tpu.dma_semaphore, #tpu.memory_space<semaphore_mem>>) src(%dma_wait3A_158 : memref<24x128xf32, #tpu.memory_space<vmem>>) dst(%dma_wait3A_155 : memref<24x128xf32, #tpu.memory_space<vmem_shared>>)
        tpu.yield
      }) : () -> ()
    } else {
    }
    %lt3A = arith.constant 5 : i32
    %lt3A_111 = arith.cmpi slt, %arg1, %lt3A : i32
    %convert_element_type3A_112 = arith.extui %lt3A_111 : i1 to i32
    %cond3A_113 = arith.constant 0 : i32
    %cond3A_114 = arith.cmpi ne, %convert_element_type3A_112, %cond3A_113 : i32
    scf.if %cond3A_114 {
      %mul3A_137 = arith.constant 2000 : i32
      %mul3A_138 = arith.muli %arg1, %mul3A_137 : i32
      "tpu.region"() ({
        %run_scoped3A = tpu.sem_alloc : memref<!tpu.dma_semaphore, #tpu.memory_space<semaphore_mem>>
        %dma_start3A = tpu.memref_slice %arg25[%mul3A_138] : memref<10112xf32, #tpu.memory_space<vmem_shared>> -> memref<2000xf32, #tpu.memory_space<vmem_shared>>
        %dma_start3A_139 = tpu.memref_slice %arg25[%mul3A_138] : memref<10112xf32, #tpu.memory_space<vmem_shared>> -> memref<2000xf32, #tpu.memory_space<vmem_shared>>
        tpu.enqueue_dma source(%arg22 : memref<2000xf32, #tpu.memory_space<vmem>>) target(%dma_start3A_139 : memref<2000xf32, #tpu.memory_space<vmem_shared>>) target_semaphore(%run_scoped3A : memref<!tpu.dma_semaphore, #tpu.memory_space<semaphore_mem>>)
        %dma_wait3A = tpu.memref_slice %arg25[%mul3A_138] : memref<10112xf32, #tpu.memory_space<vmem_shared>> -> memref<2000xf32, #tpu.memory_space<vmem_shared>>
        %dma_wait3A_140 = tpu.memref_slice %arg25[%mul3A_138] : memref<10112xf32, #tpu.memory_space<vmem_shared>> -> memref<2000xf32, #tpu.memory_space<vmem_shared>>
        tpu.wait_dma2 semaphore(%run_scoped3A : memref<!tpu.dma_semaphore, #tpu.memory_space<semaphore_mem>>) src(%arg22 : memref<2000xf32, #tpu.memory_space<vmem>>) dst(%dma_wait3A_140 : memref<2000xf32, #tpu.memory_space<vmem_shared>>)
        tpu.yield
      }) : () -> ()
    } else {
    }
    %eq3A_115 = arith.constant 5 : i32
    %eq3A_116 = arith.cmpi eq, %arg1, %eq3A_115 : i32
    %convert_element_type3A_117 = arith.extui %eq3A_116 : i1 to i32
    %cond3A_118 = arith.constant 0 : i32
    %cond3A_119 = arith.cmpi ne, %convert_element_type3A_117, %cond3A_118 : i32
    scf.if %cond3A_119 {
      "tpu.region"() ({
        %run_scoped3A = tpu.sem_alloc : memref<!tpu.dma_semaphore, #tpu.memory_space<semaphore_mem>>
        %dma_start3A = arith.constant 0 : i32
        %dma_start3A_137 = tpu.memref_slice %arg22[%dma_start3A] : memref<2000xf32, #tpu.memory_space<vmem>> -> memref<112xf32, #tpu.memory_space<vmem>>
        %dma_start3A_138 = arith.constant 10000 : i32
        %dma_start3A_139 = tpu.memref_slice %arg25[%dma_start3A_138] : memref<10112xf32, #tpu.memory_space<vmem_shared>> -> memref<112xf32, #tpu.memory_space<vmem_shared>>
        %dma_start3A_140 = arith.constant 10000 : i32
        %dma_start3A_141 = tpu.memref_slice %arg25[%dma_start3A_140] : memref<10112xf32, #tpu.memory_space<vmem_shared>> -> memref<112xf32, #tpu.memory_space<vmem_shared>>
        %dma_start3A_142 = arith.constant 0 : i32
        %dma_start3A_143 = tpu.memref_slice %arg22[%dma_start3A_142] : memref<2000xf32, #tpu.memory_space<vmem>> -> memref<112xf32, #tpu.memory_space<vmem>>
        tpu.enqueue_dma source(%dma_start3A_143 : memref<112xf32, #tpu.memory_space<vmem>>) target(%dma_start3A_141 : memref<112xf32, #tpu.memory_space<vmem_shared>>) target_semaphore(%run_scoped3A : memref<!tpu.dma_semaphore, #tpu.memory_space<semaphore_mem>>)
        %dma_wait3A = arith.constant 0 : i32
        %dma_wait3A_144 = tpu.memref_slice %arg22[%dma_wait3A] : memref<2000xf32, #tpu.memory_space<vmem>> -> memref<112xf32, #tpu.memory_space<vmem>>
        %dma_wait3A_145 = arith.constant 10000 : i32
        %dma_wait3A_146 = tpu.memref_slice %arg25[%dma_wait3A_145] : memref<10112xf32, #tpu.memory_space<vmem_shared>> -> memref<112xf32, #tpu.memory_space<vmem_shared>>
        %dma_wait3A_147 = arith.constant 10000 : i32
        %dma_wait3A_148 = tpu.memref_slice %arg25[%dma_wait3A_147] : memref<10112xf32, #tpu.memory_space<vmem_shared>> -> memref<112xf32, #tpu.memory_space<vmem_shared>>
        %dma_wait3A_149 = arith.constant 0 : i32
        %dma_wait3A_150 = tpu.memref_slice %arg22[%dma_wait3A_149] : memref<2000xf32, #tpu.memory_space<vmem>> -> memref<112xf32, #tpu.memory_space<vmem>>
        tpu.wait_dma2 semaphore(%run_scoped3A : memref<!tpu.dma_semaphore, #tpu.memory_space<semaphore_mem>>) src(%dma_wait3A_150 : memref<112xf32, #tpu.memory_space<vmem>>) dst(%dma_wait3A_148 : memref<112xf32, #tpu.memory_space<vmem_shared>>)
        tpu.yield
      }) : () -> ()
    } else {
    }
    %barrier3A = arith.constant 0 : index
    tpu.barrier barrier_id(%barrier3A)
    %scan3A_120 = arith.constant 0 : i32
    %scan3A_121 = arith.constant 0 : i32
    %scan3A_122 = arith.constant 20 : i32
    %scan3A_123 = arith.addi %scan3A_121, %scan3A_122 : i32
    %scan3A_124 = arith.constant 1 : i32
    scf.for %scan3A_137 = %scan3A_121 to %scan3A_123 step %scan3A_124  : i32 {
      %mul3A_138 = arith.constant 16 : i32
      %mul3A_139 = arith.muli %mul3A_138, %scan3A_137 : i32
      %add3A_140 = arith.addi %arg1, %mul3A_139 : i32
      %lt3A_141 = arith.constant 313 : i32
      %lt3A_142 = arith.cmpi slt, %add3A_140, %lt3A_141 : i32
      %convert_element_type3A_143 = arith.extui %lt3A_142 : i1 to i32
      %cond3A_144 = arith.constant 0 : i32
      %cond3A_145 = arith.cmpi ne, %convert_element_type3A_143, %cond3A_144 : i32
      scf.if %cond3A_145 {
        %mul3A_146 = arith.constant 8 : i32
        %mul3A_147 = arith.muli %add3A_140, %mul3A_146 : i32
        %eq3A_148 = arith.constant 0 : i32
        %eq3A_149 = arith.cmpi eq, %arg0, %eq3A_148 : i32
        %convert_element_type3A_150 = arith.extui %eq3A_149 : i1 to i32
        %cond3A_151 = arith.constant 0 : i32
        %cond3A_152 = arith.cmpi ne, %convert_element_type3A_150, %cond3A_151 : i32
        scf.if %cond3A_152 {
          "tpu.region"() ({
            %run_scoped3A = tpu.sem_alloc : memref<!tpu.dma_semaphore, #tpu.memory_space<semaphore_mem>>
            %dma_start3A_511 = arith.constant 0 : i32
            %dma_start3A_512 = tpu.memref_slice %arg3[%mul3A_147, %dma_start3A_511] : memref<2504x128xi32, #tpu.memory_space<hbm>> -> memref<8x128xi32, #tpu.memory_space<hbm>>
            %dma_start3A_513 = arith.constant 0 : i32
            %dma_start3A_514 = tpu.memref_slice %arg3[%mul3A_147, %dma_start3A_513] : memref<2504x128xi32, #tpu.memory_space<hbm>> -> memref<8x128xi32, #tpu.memory_space<hbm>>
            tpu.enqueue_dma source(%dma_start3A_514 : memref<8x128xi32, #tpu.memory_space<hbm>>) target(%arg19 : memref<8x128xi32, #tpu.memory_space<vmem>>) target_semaphore(%run_scoped3A : memref<!tpu.dma_semaphore, #tpu.memory_space<semaphore_mem>>)
            %dma_wait3A_515 = arith.constant 0 : i32
            %dma_wait3A_516 = tpu.memref_slice %arg3[%mul3A_147, %dma_wait3A_515] : memref<2504x128xi32, #tpu.memory_space<hbm>> -> memref<8x128xi32, #tpu.memory_space<hbm>>
            %dma_wait3A_517 = arith.constant 0 : i32
            %dma_wait3A_518 = tpu.memref_slice %arg3[%mul3A_147, %dma_wait3A_517] : memref<2504x128xi32, #tpu.memory_space<hbm>> -> memref<8x128xi32, #tpu.memory_space<hbm>>
            tpu.wait_dma2 semaphore(%run_scoped3A : memref<!tpu.dma_semaphore, #tpu.memory_space<semaphore_mem>>) src(%dma_wait3A_518 : memref<8x128xi32, #tpu.memory_space<hbm>>) dst(%arg19 : memref<8x128xi32, #tpu.memory_space<vmem>>)
            tpu.yield
          }) : () -> ()
        } else {
        }
        %eq3A_153 = arith.constant 1 : i32
        %eq3A_154 = arith.cmpi eq, %arg0, %eq3A_153 : i32
        %convert_element_type3A_155 = arith.extui %eq3A_154 : i1 to i32
        %cond3A_156 = arith.constant 0 : i32
        %cond3A_157 = arith.cmpi ne, %convert_element_type3A_155, %cond3A_156 : i32
        scf.if %cond3A_157 {
          "tpu.region"() ({
            %run_scoped3A = tpu.sem_alloc : memref<!tpu.dma_semaphore, #tpu.memory_space<semaphore_mem>>
            %dma_start3A_511 = arith.constant 0 : i32
            %dma_start3A_512 = tpu.memref_slice %arg4[%mul3A_147, %dma_start3A_511] : memref<2504x128xi32, #tpu.memory_space<hbm>> -> memref<8x128xi32, #tpu.memory_space<hbm>>
            %dma_start3A_513 = arith.constant 0 : i32
            %dma_start3A_514 = tpu.memref_slice %arg4[%mul3A_147, %dma_start3A_513] : memref<2504x128xi32, #tpu.memory_space<hbm>> -> memref<8x128xi32, #tpu.memory_space<hbm>>
            tpu.enqueue_dma source(%dma_start3A_514 : memref<8x128xi32, #tpu.memory_space<hbm>>) target(%arg19 : memref<8x128xi32, #tpu.memory_space<vmem>>) target_semaphore(%run_scoped3A : memref<!tpu.dma_semaphore, #tpu.memory_space<semaphore_mem>>)
            %dma_wait3A_515 = arith.constant 0 : i32
            %dma_wait3A_516 = tpu.memref_slice %arg4[%mul3A_147, %dma_wait3A_515] : memref<2504x128xi32, #tpu.memory_space<hbm>> -> memref<8x128xi32, #tpu.memory_space<hbm>>
            %dma_wait3A_517 = arith.constant 0 : i32
            %dma_wait3A_518 = tpu.memref_slice %arg4[%mul3A_147, %dma_wait3A_517] : memref<2504x128xi32, #tpu.memory_space<hbm>> -> memref<8x128xi32, #tpu.memory_space<hbm>>
            tpu.wait_dma2 semaphore(%run_scoped3A : memref<!tpu.dma_semaphore, #tpu.memory_space<semaphore_mem>>) src(%dma_wait3A_518 : memref<8x128xi32, #tpu.memory_space<hbm>>) dst(%arg19 : memref<8x128xi32, #tpu.memory_space<vmem>>)
            tpu.yield
          }) : () -> ()
        } else {
        }
        "tpu.region"() ({
          %run_scoped3A = tpu.sem_alloc : memref<!tpu.dma_semaphore, #tpu.memory_space<semaphore_mem>>
          %dma_start3A_511 = arith.constant 0 : i32
          %dma_start3A_512 = tpu.memref_slice %arg5[%mul3A_147, %dma_start3A_511] : memref<2504x128xi32, #tpu.memory_space<hbm>> -> memref<8x128xi32, #tpu.memory_space<hbm>>
          %dma_start3A_513 = arith.constant 0 : i32
          %dma_start3A_514 = tpu.memref_slice %arg5[%mul3A_147, %dma_start3A_513] : memref<2504x128xi32, #tpu.memory_space<hbm>> -> memref<8x128xi32, #tpu.memory_space<hbm>>
          tpu.enqueue_dma source(%dma_start3A_514 : memref<8x128xi32, #tpu.memory_space<hbm>>) target(%arg20 : memref<8x128xi32, #tpu.memory_space<vmem>>) target_semaphore(%run_scoped3A : memref<!tpu.dma_semaphore, #tpu.memory_space<semaphore_mem>>)
          %dma_wait3A_515 = arith.constant 0 : i32
          %dma_wait3A_516 = tpu.memref_slice %arg5[%mul3A_147, %dma_wait3A_515] : memref<2504x128xi32, #tpu.memory_space<hbm>> -> memref<8x128xi32, #tpu.memory_space<hbm>>
          %dma_wait3A_517 = arith.constant 0 : i32
          %dma_wait3A_518 = tpu.memref_slice %arg5[%mul3A_147, %dma_wait3A_517] : memref<2504x128xi32, #tpu.memory_space<hbm>> -> memref<8x128xi32, #tpu.memory_space<hbm>>
          tpu.wait_dma2 semaphore(%run_scoped3A : memref<!tpu.dma_semaphore, #tpu.memory_space<semaphore_mem>>) src(%dma_wait3A_518 : memref<8x128xi32, #tpu.memory_space<hbm>>) dst(%arg20 : memref<8x128xi32, #tpu.memory_space<vmem>>)
          tpu.yield
        }) : () -> ()
        %eq3A_158 = arith.constant 0 : i32
        %eq3A_159 = arith.cmpi eq, %arg0, %eq3A_158 : i32
        %lt3A_160 = arith.constant 156 : i32
        %lt3A_161 = arith.cmpi slt, %add3A_140, %lt3A_160 : i32
        %and3A = arith.andi %eq3A_159, %lt3A_161 : i1
        %eq3A_162 = arith.constant 1 : i32
        %eq3A_163 = arith.cmpi eq, %arg0, %eq3A_162 : i32
        %ge3A = arith.constant 156 : i32
        %ge3A_164 = arith.cmpi sge, %add3A_140, %ge3A : i32
        %and3A_165 = arith.andi %eq3A_163, %ge3A_164 : i1
        %or3A = arith.ori %and3A, %and3A_165 : i1
        %dma_start3A = arith.constant 0 : i32
        %dma_start3A_166 = arith.constant 0 : i32
        %dma_start3A_167 = arith.constant 0 : i32
        %dma_start3A_168 = tpu.memref_slice %arg18[%dma_start3A_166, %dma_start3A_167] : memref<256x128xf32, #tpu.memory_space<vmem>> -> memref<128x128xf32, #tpu.memory_space<vmem>>
        %dma_start3A_169 = arith.constant 0 : i32
        %dma_start3A_170 = tpu.memref_slice %arg19[%dma_start3A, %dma_start3A_169] : memref<8x128xi32, #tpu.memory_space<vmem>> -> memref<1x128xi32, #tpu.memory_space<vmem>>
        %dma_start3A_171 = tpu.memref_squeeze %dma_start3A_170 : memref<1x128xi32, #tpu.memory_space<vmem>> -> memref<128xi32, #tpu.memory_space<vmem>>
        %dma_start3A_172 = arith.constant 0 : i32
        %dma_start3A_173 = arith.constant 0 : i32
        %dma_start3A_174 = tpu.memref_slice %arg2[%dma_start3A_172, %dma_start3A_173] : memref<20000x128xf32, #tpu.memory_space<hbm>> -> memref<20000x128xf32, #tpu.memory_space<hbm>>
        tpu.enqueue_indirect_dma source(%dma_start3A_174 : memref<20000x128xf32, #tpu.memory_space<hbm>>) target(%dma_start3A_168 : memref<128x128xf32, #tpu.memory_space<vmem>>) offsets(%dma_start3A_171 : memref<128xi32, #tpu.memory_space<vmem>>) semaphore(%arg26 : memref<!tpu.dma_semaphore, #tpu.memory_space<semaphore_mem>>)
        %dma_wait3A = arith.constant 0 : i32
        %dma_wait3A_175 = arith.constant 0 : i32
        %dma_wait3A_176 = arith.constant 0 : i32
        %dma_wait3A_177 = tpu.memref_slice %arg18[%dma_wait3A_175, %dma_wait3A_176] : memref<256x128xf32, #tpu.memory_space<vmem>> -> memref<128x128xf32, #tpu.memory_space<vmem>>
        %dma_wait3A_178 = arith.constant 0 : i32
        %dma_wait3A_179 = tpu.memref_slice %arg19[%dma_wait3A, %dma_wait3A_178] : memref<8x128xi32, #tpu.memory_space<vmem>> -> memref<1x128xi32, #tpu.memory_space<vmem>>
        %dma_wait3A_180 = tpu.memref_squeeze %dma_wait3A_179 : memref<1x128xi32, #tpu.memory_space<vmem>> -> memref<128xi32, #tpu.memory_space<vmem>>
        %dma_wait3A_181 = arith.constant 0 : i32
        %dma_wait3A_182 = arith.constant 0 : i32
        %dma_wait3A_183 = tpu.memref_slice %arg2[%dma_wait3A_181, %dma_wait3A_182] : memref<20000x128xf32, #tpu.memory_space<hbm>> -> memref<20000x128xf32, #tpu.memory_space<hbm>>
        tpu.wait_indirect_dma semaphore(%arg26 : memref<!tpu.dma_semaphore, #tpu.memory_space<semaphore_mem>>) src(%dma_wait3A_183 : memref<20000x128xf32, #tpu.memory_space<hbm>>) dst(%dma_wait3A_177 : memref<128x128xf32, #tpu.memory_space<vmem>>)
        %dma_start3A_184 = arith.constant 0 : i32
        %dma_start3A_185 = arith.constant 0 : i32
        %dma_start3A_186 = arith.constant 0 : i32
        %dma_start3A_187 = tpu.memref_slice %arg18[%dma_start3A_185, %dma_start3A_186] : memref<256x128xf32, #tpu.memory_space<vmem>> -> memref<128x128xf32, #tpu.memory_space<vmem>>
        %dma_start3A_188 = arith.constant 0 : i32
        %dma_start3A_189 = tpu.memref_slice %arg20[%dma_start3A_184, %dma_start3A_188] : memref<8x128xi32, #tpu.memory_space<vmem>> -> memref<1x128xi32, #tpu.memory_space<vmem>>
        %dma_start3A_190 = tpu.memref_squeeze %dma_start3A_189 : memref<1x128xi32, #tpu.memory_space<vmem>> -> memref<128xi32, #tpu.memory_space<vmem>>
        %dma_start3A_191 = arith.constant 0 : i32
        %dma_start3A_192 = arith.constant 0 : i32
        %dma_start3A_193 = tpu.memref_slice %arg24[%dma_start3A_191, %dma_start3A_192] : memref<10008x128xf32, #tpu.memory_space<vmem_shared>> -> memref<10008x128xf32, #tpu.memory_space<vmem_shared>>
        tpu.enqueue_indirect_dma source(%dma_start3A_187 : memref<128x128xf32, #tpu.memory_space<vmem>>) target(%dma_start3A_193 : memref<10008x128xf32, #tpu.memory_space<vmem_shared>>) offsets(%dma_start3A_190 : memref<128xi32, #tpu.memory_space<vmem>>) semaphore(%arg27 : memref<!tpu.dma_semaphore, #tpu.memory_space<semaphore_mem>>) {add = true}
        %convert_element_type3A_194 = arith.extui %or3A : i1 to i32
        %cond3A_195 = arith.constant 0 : i32
        %cond3A_196 = arith.cmpi ne, %convert_element_type3A_194, %cond3A_195 : i32
        scf.if %cond3A_196 {
          %dma_start3A_511 = arith.constant 0 : i32
          %dma_start3A_512 = arith.constant 0 : i32
          %dma_start3A_513 = tpu.memref_slice %arg20[%dma_start3A_511, %dma_start3A_512] : memref<8x128xi32, #tpu.memory_space<vmem>> -> memref<1x128xi32, #tpu.memory_space<vmem>>
          %dma_start3A_514 = tpu.memref_squeeze %dma_start3A_513 : memref<1x128xi32, #tpu.memory_space<vmem>> -> memref<128xi32, #tpu.memory_space<vmem>>
          %dma_start3A_515 = arith.constant 0 : i32
          %dma_start3A_516 = tpu.memref_slice %arg25[%dma_start3A_515] : memref<10112xf32, #tpu.memory_space<vmem_shared>> -> memref<10112xf32, #tpu.memory_space<vmem_shared>>
          tpu.enqueue_indirect_dma source(%arg23 : memref<128xf32, #tpu.memory_space<vmem>>) target(%dma_start3A_516 : memref<10112xf32, #tpu.memory_space<vmem_shared>>) offsets(%dma_start3A_514 : memref<128xi32, #tpu.memory_space<vmem>>) semaphore(%arg29 : memref<!tpu.dma_semaphore, #tpu.memory_space<semaphore_mem>>) {add = true}
        } else {
        }
        %dma_start3A_197 = arith.constant 1 : i32
        %dma_start3A_198 = arith.constant 128 : i32
        %dma_start3A_199 = arith.constant 0 : i32
        %dma_start3A_200 = tpu.memref_slice %arg18[%dma_start3A_198, %dma_start3A_199] : memref<256x128xf32, #tpu.memory_space<vmem>> -> memref<128x128xf32, #tpu.memory_space<vmem>>
        %dma_start3A_201 = arith.constant 0 : i32
        %dma_start3A_202 = tpu.memref_slice %arg19[%dma_start3A_197, %dma_start3A_201] : memref<8x128xi32, #tpu.memory_space<vmem>> -> memref<1x128xi32, #tpu.memory_space<vmem>>
        %dma_start3A_203 = tpu.memref_squeeze %dma_start3A_202 : memref<1x128xi32, #tpu.memory_space<vmem>> -> memref<128xi32, #tpu.memory_space<vmem>>
        %dma_start3A_204 = arith.constant 0 : i32
        %dma_start3A_205 = arith.constant 0 : i32
        %dma_start3A_206 = tpu.memref_slice %arg2[%dma_start3A_204, %dma_start3A_205] : memref<20000x128xf32, #tpu.memory_space<hbm>> -> memref<20000x128xf32, #tpu.memory_space<hbm>>
        tpu.enqueue_indirect_dma source(%dma_start3A_206 : memref<20000x128xf32, #tpu.memory_space<hbm>>) target(%dma_start3A_200 : memref<128x128xf32, #tpu.memory_space<vmem>>) offsets(%dma_start3A_203 : memref<128xi32, #tpu.memory_space<vmem>>) semaphore(%arg26 : memref<!tpu.dma_semaphore, #tpu.memory_space<semaphore_mem>>)
        %dma_wait3A_207 = arith.constant 1 : i32
        %dma_wait3A_208 = arith.constant 128 : i32
        %dma_wait3A_209 = arith.constant 0 : i32
        %dma_wait3A_210 = tpu.memref_slice %arg18[%dma_wait3A_208, %dma_wait3A_209] : memref<256x128xf32, #tpu.memory_space<vmem>> -> memref<128x128xf32, #tpu.memory_space<vmem>>
        %dma_wait3A_211 = arith.constant 0 : i32
        %dma_wait3A_212 = tpu.memref_slice %arg19[%dma_wait3A_207, %dma_wait3A_211] : memref<8x128xi32, #tpu.memory_space<vmem>> -> memref<1x128xi32, #tpu.memory_space<vmem>>
        %dma_wait3A_213 = tpu.memref_squeeze %dma_wait3A_212 : memref<1x128xi32, #tpu.memory_space<vmem>> -> memref<128xi32, #tpu.memory_space<vmem>>
        %dma_wait3A_214 = arith.constant 0 : i32
        %dma_wait3A_215 = arith.constant 0 : i32
        %dma_wait3A_216 = tpu.memref_slice %arg2[%dma_wait3A_214, %dma_wait3A_215] : memref<20000x128xf32, #tpu.memory_space<hbm>> -> memref<20000x128xf32, #tpu.memory_space<hbm>>
        tpu.wait_indirect_dma semaphore(%arg26 : memref<!tpu.dma_semaphore, #tpu.memory_space<semaphore_mem>>) src(%dma_wait3A_216 : memref<20000x128xf32, #tpu.memory_space<hbm>>) dst(%dma_wait3A_210 : memref<128x128xf32, #tpu.memory_space<vmem>>)
        %dma_start3A_217 = arith.constant 1 : i32
        %dma_start3A_218 = arith.constant 128 : i32
        %dma_start3A_219 = arith.constant 0 : i32
        %dma_start3A_220 = tpu.memref_slice %arg18[%dma_start3A_218, %dma_start3A_219] : memref<256x128xf32, #tpu.memory_space<vmem>> -> memref<128x128xf32, #tpu.memory_space<vmem>>
        %dma_start3A_221 = arith.constant 0 : i32
        %dma_start3A_222 = tpu.memref_slice %arg20[%dma_start3A_217, %dma_start3A_221] : memref<8x128xi32, #tpu.memory_space<vmem>> -> memref<1x128xi32, #tpu.memory_space<vmem>>
        %dma_start3A_223 = tpu.memref_squeeze %dma_start3A_222 : memref<1x128xi32, #tpu.memory_space<vmem>> -> memref<128xi32, #tpu.memory_space<vmem>>
        %dma_start3A_224 = arith.constant 0 : i32
        %dma_start3A_225 = arith.constant 0 : i32
        %dma_start3A_226 = tpu.memref_slice %arg24[%dma_start3A_224, %dma_start3A_225] : memref<10008x128xf32, #tpu.memory_space<vmem_shared>> -> memref<10008x128xf32, #tpu.memory_space<vmem_shared>>
        tpu.enqueue_indirect_dma source(%dma_start3A_220 : memref<128x128xf32, #tpu.memory_space<vmem>>) target(%dma_start3A_226 : memref<10008x128xf32, #tpu.memory_space<vmem_shared>>) offsets(%dma_start3A_223 : memref<128xi32, #tpu.memory_space<vmem>>) semaphore(%arg28 : memref<!tpu.dma_semaphore, #tpu.memory_space<semaphore_mem>>) {add = true}
        %convert_element_type3A_227 = arith.extui %or3A : i1 to i32
        %cond3A_228 = arith.constant 0 : i32
        %cond3A_229 = arith.cmpi ne, %convert_element_type3A_227, %cond3A_228 : i32
        scf.if %cond3A_229 {
          %dma_start3A_511 = arith.constant 1 : i32
          %dma_start3A_512 = arith.constant 0 : i32
          %dma_start3A_513 = tpu.memref_slice %arg20[%dma_start3A_511, %dma_start3A_512] : memref<8x128xi32, #tpu.memory_space<vmem>> -> memref<1x128xi32, #tpu.memory_space<vmem>>
          %dma_start3A_514 = tpu.memref_squeeze %dma_start3A_513 : memref<1x128xi32, #tpu.memory_space<vmem>> -> memref<128xi32, #tpu.memory_space<vmem>>
          %dma_start3A_515 = arith.constant 0 : i32
          %dma_start3A_516 = tpu.memref_slice %arg25[%dma_start3A_515] : memref<10112xf32, #tpu.memory_space<vmem_shared>> -> memref<10112xf32, #tpu.memory_space<vmem_shared>>
          tpu.enqueue_indirect_dma source(%arg23 : memref<128xf32, #tpu.memory_space<vmem>>) target(%dma_start3A_516 : memref<10112xf32, #tpu.memory_space<vmem_shared>>) offsets(%dma_start3A_514 : memref<128xi32, #tpu.memory_space<vmem>>) semaphore(%arg29 : memref<!tpu.dma_semaphore, #tpu.memory_space<semaphore_mem>>) {add = true}
        } else {
        }
        %dma_wait3A_230 = arith.constant 0 : i32
        %dma_wait3A_231 = arith.constant 0 : i32
        %dma_wait3A_232 = arith.constant 0 : i32
        %dma_wait3A_233 = tpu.memref_slice %arg18[%dma_wait3A_231, %dma_wait3A_232] : memref<256x128xf32, #tpu.memory_space<vmem>> -> memref<128x128xf32, #tpu.memory_space<vmem>>
        %dma_wait3A_234 = arith.constant 0 : i32
        %dma_wait3A_235 = tpu.memref_slice %arg20[%dma_wait3A_230, %dma_wait3A_234] : memref<8x128xi32, #tpu.memory_space<vmem>> -> memref<1x128xi32, #tpu.memory_space<vmem>>
        %dma_wait3A_236 = tpu.memref_squeeze %dma_wait3A_235 : memref<1x128xi32, #tpu.memory_space<vmem>> -> memref<128xi32, #tpu.memory_space<vmem>>
        %dma_wait3A_237 = arith.constant 0 : i32
        %dma_wait3A_238 = arith.constant 0 : i32
        %dma_wait3A_239 = tpu.memref_slice %arg24[%dma_wait3A_237, %dma_wait3A_238] : memref<10008x128xf32, #tpu.memory_space<vmem_shared>> -> memref<10008x128xf32, #tpu.memory_space<vmem_shared>>
        tpu.wait_indirect_dma semaphore(%arg27 : memref<!tpu.dma_semaphore, #tpu.memory_space<semaphore_mem>>) src(%dma_wait3A_233 : memref<128x128xf32, #tpu.memory_space<vmem>>) dst(%dma_wait3A_239 : memref<10008x128xf32, #tpu.memory_space<vmem_shared>>)
        %dma_start3A_240 = arith.constant 2 : i32
        %dma_start3A_241 = arith.constant 0 : i32
        %dma_start3A_242 = arith.constant 0 : i32
        %dma_start3A_243 = tpu.memref_slice %arg18[%dma_start3A_241, %dma_start3A_242] : memref<256x128xf32, #tpu.memory_space<vmem>> -> memref<128x128xf32, #tpu.memory_space<vmem>>
        %dma_start3A_244 = arith.constant 0 : i32
        %dma_start3A_245 = tpu.memref_slice %arg19[%dma_start3A_240, %dma_start3A_244] : memref<8x128xi32, #tpu.memory_space<vmem>> -> memref<1x128xi32, #tpu.memory_space<vmem>>
        %dma_start3A_246 = tpu.memref_squeeze %dma_start3A_245 : memref<1x128xi32, #tpu.memory_space<vmem>> -> memref<128xi32, #tpu.memory_space<vmem>>
        %dma_start3A_247 = arith.constant 0 : i32
        %dma_start3A_248 = arith.constant 0 : i32
        %dma_start3A_249 = tpu.memref_slice %arg2[%dma_start3A_247, %dma_start3A_248] : memref<20000x128xf32, #tpu.memory_space<hbm>> -> memref<20000x128xf32, #tpu.memory_space<hbm>>
        tpu.enqueue_indirect_dma source(%dma_start3A_249 : memref<20000x128xf32, #tpu.memory_space<hbm>>) target(%dma_start3A_243 : memref<128x128xf32, #tpu.memory_space<vmem>>) offsets(%dma_start3A_246 : memref<128xi32, #tpu.memory_space<vmem>>) semaphore(%arg26 : memref<!tpu.dma_semaphore, #tpu.memory_space<semaphore_mem>>)
        %dma_wait3A_250 = arith.constant 2 : i32
        %dma_wait3A_251 = arith.constant 0 : i32
        %dma_wait3A_252 = arith.constant 0 : i32
        %dma_wait3A_253 = tpu.memref_slice %arg18[%dma_wait3A_251, %dma_wait3A_252] : memref<256x128xf32, #tpu.memory_space<vmem>> -> memref<128x128xf32, #tpu.memory_space<vmem>>
        %dma_wait3A_254 = arith.constant 0 : i32
        %dma_wait3A_255 = tpu.memref_slice %arg19[%dma_wait3A_250, %dma_wait3A_254] : memref<8x128xi32, #tpu.memory_space<vmem>> -> memref<1x128xi32, #tpu.memory_space<vmem>>
        %dma_wait3A_256 = tpu.memref_squeeze %dma_wait3A_255 : memref<1x128xi32, #tpu.memory_space<vmem>> -> memref<128xi32, #tpu.memory_space<vmem>>
        %dma_wait3A_257 = arith.constant 0 : i32
        %dma_wait3A_258 = arith.constant 0 : i32
        %dma_wait3A_259 = tpu.memref_slice %arg2[%dma_wait3A_257, %dma_wait3A_258] : memref<20000x128xf32, #tpu.memory_space<hbm>> -> memref<20000x128xf32, #tpu.memory_space<hbm>>
        tpu.wait_indirect_dma semaphore(%arg26 : memref<!tpu.dma_semaphore, #tpu.memory_space<semaphore_mem>>) src(%dma_wait3A_259 : memref<20000x128xf32, #tpu.memory_space<hbm>>) dst(%dma_wait3A_253 : memref<128x128xf32, #tpu.memory_space<vmem>>)
        %dma_start3A_260 = arith.constant 2 : i32
        %dma_start3A_261 = arith.constant 0 : i32
        %dma_start3A_262 = arith.constant 0 : i32
        %dma_start3A_263 = tpu.memref_slice %arg18[%dma_start3A_261, %dma_start3A_262] : memref<256x128xf32, #tpu.memory_space<vmem>> -> memref<128x128xf32, #tpu.memory_space<vmem>>
        %dma_start3A_264 = arith.constant 0 : i32
        %dma_start3A_265 = tpu.memref_slice %arg20[%dma_start3A_260, %dma_start3A_264] : memref<8x128xi32, #tpu.memory_space<vmem>> -> memref<1x128xi32, #tpu.memory_space<vmem>>
        %dma_start3A_266 = tpu.memref_squeeze %dma_start3A_265 : memref<1x128xi32, #tpu.memory_space<vmem>> -> memref<128xi32, #tpu.memory_space<vmem>>
        %dma_start3A_267 = arith.constant 0 : i32
        %dma_start3A_268 = arith.constant 0 : i32
        %dma_start3A_269 = tpu.memref_slice %arg24[%dma_start3A_267, %dma_start3A_268] : memref<10008x128xf32, #tpu.memory_space<vmem_shared>> -> memref<10008x128xf32, #tpu.memory_space<vmem_shared>>
        tpu.enqueue_indirect_dma source(%dma_start3A_263 : memref<128x128xf32, #tpu.memory_space<vmem>>) target(%dma_start3A_269 : memref<10008x128xf32, #tpu.memory_space<vmem_shared>>) offsets(%dma_start3A_266 : memref<128xi32, #tpu.memory_space<vmem>>) semaphore(%arg27 : memref<!tpu.dma_semaphore, #tpu.memory_space<semaphore_mem>>) {add = true}
        %convert_element_type3A_270 = arith.extui %or3A : i1 to i32
        %cond3A_271 = arith.constant 0 : i32
        %cond3A_272 = arith.cmpi ne, %convert_element_type3A_270, %cond3A_271 : i32
        scf.if %cond3A_272 {
          %dma_start3A_511 = arith.constant 2 : i32
          %dma_start3A_512 = arith.constant 0 : i32
          %dma_start3A_513 = tpu.memref_slice %arg20[%dma_start3A_511, %dma_start3A_512] : memref<8x128xi32, #tpu.memory_space<vmem>> -> memref<1x128xi32, #tpu.memory_space<vmem>>
          %dma_start3A_514 = tpu.memref_squeeze %dma_start3A_513 : memref<1x128xi32, #tpu.memory_space<vmem>> -> memref<128xi32, #tpu.memory_space<vmem>>
          %dma_start3A_515 = arith.constant 0 : i32
          %dma_start3A_516 = tpu.memref_slice %arg25[%dma_start3A_515] : memref<10112xf32, #tpu.memory_space<vmem_shared>> -> memref<10112xf32, #tpu.memory_space<vmem_shared>>
          tpu.enqueue_indirect_dma source(%arg23 : memref<128xf32, #tpu.memory_space<vmem>>) target(%dma_start3A_516 : memref<10112xf32, #tpu.memory_space<vmem_shared>>) offsets(%dma_start3A_514 : memref<128xi32, #tpu.memory_space<vmem>>) semaphore(%arg29 : memref<!tpu.dma_semaphore, #tpu.memory_space<semaphore_mem>>) {add = true}
        } else {
        }
        %dma_wait3A_273 = arith.constant 1 : i32
        %dma_wait3A_274 = arith.constant 128 : i32
        %dma_wait3A_275 = arith.constant 0 : i32
        %dma_wait3A_276 = tpu.memref_slice %arg18[%dma_wait3A_274, %dma_wait3A_275] : memref<256x128xf32, #tpu.memory_space<vmem>> -> memref<128x128xf32, #tpu.memory_space<vmem>>
        %dma_wait3A_277 = arith.constant 0 : i32
        %dma_wait3A_278 = tpu.memref_slice %arg20[%dma_wait3A_273, %dma_wait3A_277] : memref<8x128xi32, #tpu.memory_space<vmem>> -> memref<1x128xi32, #tpu.memory_space<vmem>>
        %dma_wait3A_279 = tpu.memref_squeeze %dma_wait3A_278 : memref<1x128xi32, #tpu.memory_space<vmem>> -> memref<128xi32, #tpu.memory_space<vmem>>
        %dma_wait3A_280 = arith.constant 0 : i32
        %dma_wait3A_281 = arith.constant 0 : i32
        %dma_wait3A_282 = tpu.memref_slice %arg24[%dma_wait3A_280, %dma_wait3A_281] : memref<10008x128xf32, #tpu.memory_space<vmem_shared>> -> memref<10008x128xf32, #tpu.memory_space<vmem_shared>>
        tpu.wait_indirect_dma semaphore(%arg28 : memref<!tpu.dma_semaphore, #tpu.memory_space<semaphore_mem>>) src(%dma_wait3A_276 : memref<128x128xf32, #tpu.memory_space<vmem>>) dst(%dma_wait3A_282 : memref<10008x128xf32, #tpu.memory_space<vmem_shared>>)
        %dma_start3A_283 = arith.constant 3 : i32
        %dma_start3A_284 = arith.constant 128 : i32
        %dma_start3A_285 = arith.constant 0 : i32
        %dma_start3A_286 = tpu.memref_slice %arg18[%dma_start3A_284, %dma_start3A_285] : memref<256x128xf32, #tpu.memory_space<vmem>> -> memref<128x128xf32, #tpu.memory_space<vmem>>
        %dma_start3A_287 = arith.constant 0 : i32
        %dma_start3A_288 = tpu.memref_slice %arg19[%dma_start3A_283, %dma_start3A_287] : memref<8x128xi32, #tpu.memory_space<vmem>> -> memref<1x128xi32, #tpu.memory_space<vmem>>
        %dma_start3A_289 = tpu.memref_squeeze %dma_start3A_288 : memref<1x128xi32, #tpu.memory_space<vmem>> -> memref<128xi32, #tpu.memory_space<vmem>>
        %dma_start3A_290 = arith.constant 0 : i32
        %dma_start3A_291 = arith.constant 0 : i32
        %dma_start3A_292 = tpu.memref_slice %arg2[%dma_start3A_290, %dma_start3A_291] : memref<20000x128xf32, #tpu.memory_space<hbm>> -> memref<20000x128xf32, #tpu.memory_space<hbm>>
        tpu.enqueue_indirect_dma source(%dma_start3A_292 : memref<20000x128xf32, #tpu.memory_space<hbm>>) target(%dma_start3A_286 : memref<128x128xf32, #tpu.memory_space<vmem>>) offsets(%dma_start3A_289 : memref<128xi32, #tpu.memory_space<vmem>>) semaphore(%arg26 : memref<!tpu.dma_semaphore, #tpu.memory_space<semaphore_mem>>)
        %dma_wait3A_293 = arith.constant 3 : i32
        %dma_wait3A_294 = arith.constant 128 : i32
        %dma_wait3A_295 = arith.constant 0 : i32
        %dma_wait3A_296 = tpu.memref_slice %arg18[%dma_wait3A_294, %dma_wait3A_295] : memref<256x128xf32, #tpu.memory_space<vmem>> -> memref<128x128xf32, #tpu.memory_space<vmem>>
        %dma_wait3A_297 = arith.constant 0 : i32
        %dma_wait3A_298 = tpu.memref_slice %arg19[%dma_wait3A_293, %dma_wait3A_297] : memref<8x128xi32, #tpu.memory_space<vmem>> -> memref<1x128xi32, #tpu.memory_space<vmem>>
        %dma_wait3A_299 = tpu.memref_squeeze %dma_wait3A_298 : memref<1x128xi32, #tpu.memory_space<vmem>> -> memref<128xi32, #tpu.memory_space<vmem>>
        %dma_wait3A_300 = arith.constant 0 : i32
        %dma_wait3A_301 = arith.constant 0 : i32
        %dma_wait3A_302 = tpu.memref_slice %arg2[%dma_wait3A_300, %dma_wait3A_301] : memref<20000x128xf32, #tpu.memory_space<hbm>> -> memref<20000x128xf32, #tpu.memory_space<hbm>>
        tpu.wait_indirect_dma semaphore(%arg26 : memref<!tpu.dma_semaphore, #tpu.memory_space<semaphore_mem>>) src(%dma_wait3A_302 : memref<20000x128xf32, #tpu.memory_space<hbm>>) dst(%dma_wait3A_296 : memref<128x128xf32, #tpu.memory_space<vmem>>)
        %dma_start3A_303 = arith.constant 3 : i32
        %dma_start3A_304 = arith.constant 128 : i32
        %dma_start3A_305 = arith.constant 0 : i32
        %dma_start3A_306 = tpu.memref_slice %arg18[%dma_start3A_304, %dma_start3A_305] : memref<256x128xf32, #tpu.memory_space<vmem>> -> memref<128x128xf32, #tpu.memory_space<vmem>>
        %dma_start3A_307 = arith.constant 0 : i32
        %dma_start3A_308 = tpu.memref_slice %arg20[%dma_start3A_303, %dma_start3A_307] : memref<8x128xi32, #tpu.memory_space<vmem>> -> memref<1x128xi32, #tpu.memory_space<vmem>>
        %dma_start3A_309 = tpu.memref_squeeze %dma_start3A_308 : memref<1x128xi32, #tpu.memory_space<vmem>> -> memref<128xi32, #tpu.memory_space<vmem>>
        %dma_start3A_310 = arith.constant 0 : i32
        %dma_start3A_311 = arith.constant 0 : i32
        %dma_start3A_312 = tpu.memref_slice %arg24[%dma_start3A_310, %dma_start3A_311] : memref<10008x128xf32, #tpu.memory_space<vmem_shared>> -> memref<10008x128xf32, #tpu.memory_space<vmem_shared>>
        tpu.enqueue_indirect_dma source(%dma_start3A_306 : memref<128x128xf32, #tpu.memory_space<vmem>>) target(%dma_start3A_312 : memref<10008x128xf32, #tpu.memory_space<vmem_shared>>) offsets(%dma_start3A_309 : memref<128xi32, #tpu.memory_space<vmem>>) semaphore(%arg28 : memref<!tpu.dma_semaphore, #tpu.memory_space<semaphore_mem>>) {add = true}
        %convert_element_type3A_313 = arith.extui %or3A : i1 to i32
        %cond3A_314 = arith.constant 0 : i32
        %cond3A_315 = arith.cmpi ne, %convert_element_type3A_313, %cond3A_314 : i32
        scf.if %cond3A_315 {
          %dma_start3A_511 = arith.constant 3 : i32
          %dma_start3A_512 = arith.constant 0 : i32
          %dma_start3A_513 = tpu.memref_slice %arg20[%dma_start3A_511, %dma_start3A_512] : memref<8x128xi32, #tpu.memory_space<vmem>> -> memref<1x128xi32, #tpu.memory_space<vmem>>
          %dma_start3A_514 = tpu.memref_squeeze %dma_start3A_513 : memref<1x128xi32, #tpu.memory_space<vmem>> -> memref<128xi32, #tpu.memory_space<vmem>>
          %dma_start3A_515 = arith.constant 0 : i32
          %dma_start3A_516 = tpu.memref_slice %arg25[%dma_start3A_515] : memref<10112xf32, #tpu.memory_space<vmem_shared>> -> memref<10112xf32, #tpu.memory_space<vmem_shared>>
          tpu.enqueue_indirect_dma source(%arg23 : memref<128xf32, #tpu.memory_space<vmem>>) target(%dma_start3A_516 : memref<10112xf32, #tpu.memory_space<vmem_shared>>) offsets(%dma_start3A_514 : memref<128xi32, #tpu.memory_space<vmem>>) semaphore(%arg29 : memref<!tpu.dma_semaphore, #tpu.memory_space<semaphore_mem>>) {add = true}
        } else {
        }
        %dma_wait3A_316 = arith.constant 2 : i32
        %dma_wait3A_317 = arith.constant 0 : i32
        %dma_wait3A_318 = arith.constant 0 : i32
        %dma_wait3A_319 = tpu.memref_slice %arg18[%dma_wait3A_317, %dma_wait3A_318] : memref<256x128xf32, #tpu.memory_space<vmem>> -> memref<128x128xf32, #tpu.memory_space<vmem>>
        %dma_wait3A_320 = arith.constant 0 : i32
        %dma_wait3A_321 = tpu.memref_slice %arg20[%dma_wait3A_316, %dma_wait3A_320] : memref<8x128xi32, #tpu.memory_space<vmem>> -> memref<1x128xi32, #tpu.memory_space<vmem>>
        %dma_wait3A_322 = tpu.memref_squeeze %dma_wait3A_321 : memref<1x128xi32, #tpu.memory_space<vmem>> -> memref<128xi32, #tpu.memory_space<vmem>>
        %dma_wait3A_323 = arith.constant 0 : i32
        %dma_wait3A_324 = arith.constant 0 : i32
        %dma_wait3A_325 = tpu.memref_slice %arg24[%dma_wait3A_323, %dma_wait3A_324] : memref<10008x128xf32, #tpu.memory_space<vmem_shared>> -> memref<10008x128xf32, #tpu.memory_space<vmem_shared>>
        tpu.wait_indirect_dma semaphore(%arg27 : memref<!tpu.dma_semaphore, #tpu.memory_space<semaphore_mem>>) src(%dma_wait3A_319 : memref<128x128xf32, #tpu.memory_space<vmem>>) dst(%dma_wait3A_325 : memref<10008x128xf32, #tpu.memory_space<vmem_shared>>)
        %dma_start3A_326 = arith.constant 4 : i32
        %dma_start3A_327 = arith.constant 0 : i32
        %dma_start3A_328 = arith.constant 0 : i32
        %dma_start3A_329 = tpu.memref_slice %arg18[%dma_start3A_327, %dma_start3A_328] : memref<256x128xf32, #tpu.memory_space<vmem>> -> memref<128x128xf32, #tpu.memory_space<vmem>>
        %dma_start3A_330 = arith.constant 0 : i32
        %dma_start3A_331 = tpu.memref_slice %arg19[%dma_start3A_326, %dma_start3A_330] : memref<8x128xi32, #tpu.memory_space<vmem>> -> memref<1x128xi32, #tpu.memory_space<vmem>>
        %dma_start3A_332 = tpu.memref_squeeze %dma_start3A_331 : memref<1x128xi32, #tpu.memory_space<vmem>> -> memref<128xi32, #tpu.memory_space<vmem>>
        %dma_start3A_333 = arith.constant 0 : i32
        %dma_start3A_334 = arith.constant 0 : i32
        %dma_start3A_335 = tpu.memref_slice %arg2[%dma_start3A_333, %dma_start3A_334] : memref<20000x128xf32, #tpu.memory_space<hbm>> -> memref<20000x128xf32, #tpu.memory_space<hbm>>
        tpu.enqueue_indirect_dma source(%dma_start3A_335 : memref<20000x128xf32, #tpu.memory_space<hbm>>) target(%dma_start3A_329 : memref<128x128xf32, #tpu.memory_space<vmem>>) offsets(%dma_start3A_332 : memref<128xi32, #tpu.memory_space<vmem>>) semaphore(%arg26 : memref<!tpu.dma_semaphore, #tpu.memory_space<semaphore_mem>>)
        %dma_wait3A_336 = arith.constant 4 : i32
        %dma_wait3A_337 = arith.constant 0 : i32
        %dma_wait3A_338 = arith.constant 0 : i32
        %dma_wait3A_339 = tpu.memref_slice %arg18[%dma_wait3A_337, %dma_wait3A_338] : memref<256x128xf32, #tpu.memory_space<vmem>> -> memref<128x128xf32, #tpu.memory_space<vmem>>
        %dma_wait3A_340 = arith.constant 0 : i32
        %dma_wait3A_341 = tpu.memref_slice %arg19[%dma_wait3A_336, %dma_wait3A_340] : memref<8x128xi32, #tpu.memory_space<vmem>> -> memref<1x128xi32, #tpu.memory_space<vmem>>
        %dma_wait3A_342 = tpu.memref_squeeze %dma_wait3A_341 : memref<1x128xi32, #tpu.memory_space<vmem>> -> memref<128xi32, #tpu.memory_space<vmem>>
        %dma_wait3A_343 = arith.constant 0 : i32
        %dma_wait3A_344 = arith.constant 0 : i32
        %dma_wait3A_345 = tpu.memref_slice %arg2[%dma_wait3A_343, %dma_wait3A_344] : memref<20000x128xf32, #tpu.memory_space<hbm>> -> memref<20000x128xf32, #tpu.memory_space<hbm>>
        tpu.wait_indirect_dma semaphore(%arg26 : memref<!tpu.dma_semaphore, #tpu.memory_space<semaphore_mem>>) src(%dma_wait3A_345 : memref<20000x128xf32, #tpu.memory_space<hbm>>) dst(%dma_wait3A_339 : memref<128x128xf32, #tpu.memory_space<vmem>>)
        %dma_start3A_346 = arith.constant 4 : i32
        %dma_start3A_347 = arith.constant 0 : i32
        %dma_start3A_348 = arith.constant 0 : i32
        %dma_start3A_349 = tpu.memref_slice %arg18[%dma_start3A_347, %dma_start3A_348] : memref<256x128xf32, #tpu.memory_space<vmem>> -> memref<128x128xf32, #tpu.memory_space<vmem>>
        %dma_start3A_350 = arith.constant 0 : i32
        %dma_start3A_351 = tpu.memref_slice %arg20[%dma_start3A_346, %dma_start3A_350] : memref<8x128xi32, #tpu.memory_space<vmem>> -> memref<1x128xi32, #tpu.memory_space<vmem>>
        %dma_start3A_352 = tpu.memref_squeeze %dma_start3A_351 : memref<1x128xi32, #tpu.memory_space<vmem>> -> memref<128xi32, #tpu.memory_space<vmem>>
        %dma_start3A_353 = arith.constant 0 : i32
        %dma_start3A_354 = arith.constant 0 : i32
        %dma_start3A_355 = tpu.memref_slice %arg24[%dma_start3A_353, %dma_start3A_354] : memref<10008x128xf32, #tpu.memory_space<vmem_shared>> -> memref<10008x128xf32, #tpu.memory_space<vmem_shared>>
        tpu.enqueue_indirect_dma source(%dma_start3A_349 : memref<128x128xf32, #tpu.memory_space<vmem>>) target(%dma_start3A_355 : memref<10008x128xf32, #tpu.memory_space<vmem_shared>>) offsets(%dma_start3A_352 : memref<128xi32, #tpu.memory_space<vmem>>) semaphore(%arg27 : memref<!tpu.dma_semaphore, #tpu.memory_space<semaphore_mem>>) {add = true}
        %convert_element_type3A_356 = arith.extui %or3A : i1 to i32
        %cond3A_357 = arith.constant 0 : i32
        %cond3A_358 = arith.cmpi ne, %convert_element_type3A_356, %cond3A_357 : i32
        scf.if %cond3A_358 {
          %dma_start3A_511 = arith.constant 4 : i32
          %dma_start3A_512 = arith.constant 0 : i32
          %dma_start3A_513 = tpu.memref_slice %arg20[%dma_start3A_511, %dma_start3A_512] : memref<8x128xi32, #tpu.memory_space<vmem>> -> memref<1x128xi32, #tpu.memory_space<vmem>>
          %dma_start3A_514 = tpu.memref_squeeze %dma_start3A_513 : memref<1x128xi32, #tpu.memory_space<vmem>> -> memref<128xi32, #tpu.memory_space<vmem>>
          %dma_start3A_515 = arith.constant 0 : i32
          %dma_start3A_516 = tpu.memref_slice %arg25[%dma_start3A_515] : memref<10112xf32, #tpu.memory_space<vmem_shared>> -> memref<10112xf32, #tpu.memory_space<vmem_shared>>
          tpu.enqueue_indirect_dma source(%arg23 : memref<128xf32, #tpu.memory_space<vmem>>) target(%dma_start3A_516 : memref<10112xf32, #tpu.memory_space<vmem_shared>>) offsets(%dma_start3A_514 : memref<128xi32, #tpu.memory_space<vmem>>) semaphore(%arg29 : memref<!tpu.dma_semaphore, #tpu.memory_space<semaphore_mem>>) {add = true}
        } else {
        }
        %dma_wait3A_359 = arith.constant 3 : i32
        %dma_wait3A_360 = arith.constant 128 : i32
        %dma_wait3A_361 = arith.constant 0 : i32
        %dma_wait3A_362 = tpu.memref_slice %arg18[%dma_wait3A_360, %dma_wait3A_361] : memref<256x128xf32, #tpu.memory_space<vmem>> -> memref<128x128xf32, #tpu.memory_space<vmem>>
        %dma_wait3A_363 = arith.constant 0 : i32
        %dma_wait3A_364 = tpu.memref_slice %arg20[%dma_wait3A_359, %dma_wait3A_363] : memref<8x128xi32, #tpu.memory_space<vmem>> -> memref<1x128xi32, #tpu.memory_space<vmem>>
        %dma_wait3A_365 = tpu.memref_squeeze %dma_wait3A_364 : memref<1x128xi32, #tpu.memory_space<vmem>> -> memref<128xi32, #tpu.memory_space<vmem>>
        %dma_wait3A_366 = arith.constant 0 : i32
        %dma_wait3A_367 = arith.constant 0 : i32
        %dma_wait3A_368 = tpu.memref_slice %arg24[%dma_wait3A_366, %dma_wait3A_367] : memref<10008x128xf32, #tpu.memory_space<vmem_shared>> -> memref<10008x128xf32, #tpu.memory_space<vmem_shared>>
        tpu.wait_indirect_dma semaphore(%arg28 : memref<!tpu.dma_semaphore, #tpu.memory_space<semaphore_mem>>) src(%dma_wait3A_362 : memref<128x128xf32, #tpu.memory_space<vmem>>) dst(%dma_wait3A_368 : memref<10008x128xf32, #tpu.memory_space<vmem_shared>>)
        %dma_start3A_369 = arith.constant 5 : i32
        %dma_start3A_370 = arith.constant 128 : i32
        %dma_start3A_371 = arith.constant 0 : i32
        %dma_start3A_372 = tpu.memref_slice %arg18[%dma_start3A_370, %dma_start3A_371] : memref<256x128xf32, #tpu.memory_space<vmem>> -> memref<128x128xf32, #tpu.memory_space<vmem>>
        %dma_start3A_373 = arith.constant 0 : i32
        %dma_start3A_374 = tpu.memref_slice %arg19[%dma_start3A_369, %dma_start3A_373] : memref<8x128xi32, #tpu.memory_space<vmem>> -> memref<1x128xi32, #tpu.memory_space<vmem>>
        %dma_start3A_375 = tpu.memref_squeeze %dma_start3A_374 : memref<1x128xi32, #tpu.memory_space<vmem>> -> memref<128xi32, #tpu.memory_space<vmem>>
        %dma_start3A_376 = arith.constant 0 : i32
        %dma_start3A_377 = arith.constant 0 : i32
        %dma_start3A_378 = tpu.memref_slice %arg2[%dma_start3A_376, %dma_start3A_377] : memref<20000x128xf32, #tpu.memory_space<hbm>> -> memref<20000x128xf32, #tpu.memory_space<hbm>>
        tpu.enqueue_indirect_dma source(%dma_start3A_378 : memref<20000x128xf32, #tpu.memory_space<hbm>>) target(%dma_start3A_372 : memref<128x128xf32, #tpu.memory_space<vmem>>) offsets(%dma_start3A_375 : memref<128xi32, #tpu.memory_space<vmem>>) semaphore(%arg26 : memref<!tpu.dma_semaphore, #tpu.memory_space<semaphore_mem>>)
        %dma_wait3A_379 = arith.constant 5 : i32
        %dma_wait3A_380 = arith.constant 128 : i32
        %dma_wait3A_381 = arith.constant 0 : i32
        %dma_wait3A_382 = tpu.memref_slice %arg18[%dma_wait3A_380, %dma_wait3A_381] : memref<256x128xf32, #tpu.memory_space<vmem>> -> memref<128x128xf32, #tpu.memory_space<vmem>>
        %dma_wait3A_383 = arith.constant 0 : i32
        %dma_wait3A_384 = tpu.memref_slice %arg19[%dma_wait3A_379, %dma_wait3A_383] : memref<8x128xi32, #tpu.memory_space<vmem>> -> memref<1x128xi32, #tpu.memory_space<vmem>>
        %dma_wait3A_385 = tpu.memref_squeeze %dma_wait3A_384 : memref<1x128xi32, #tpu.memory_space<vmem>> -> memref<128xi32, #tpu.memory_space<vmem>>
        %dma_wait3A_386 = arith.constant 0 : i32
        %dma_wait3A_387 = arith.constant 0 : i32
        %dma_wait3A_388 = tpu.memref_slice %arg2[%dma_wait3A_386, %dma_wait3A_387] : memref<20000x128xf32, #tpu.memory_space<hbm>> -> memref<20000x128xf32, #tpu.memory_space<hbm>>
        tpu.wait_indirect_dma semaphore(%arg26 : memref<!tpu.dma_semaphore, #tpu.memory_space<semaphore_mem>>) src(%dma_wait3A_388 : memref<20000x128xf32, #tpu.memory_space<hbm>>) dst(%dma_wait3A_382 : memref<128x128xf32, #tpu.memory_space<vmem>>)
        %dma_start3A_389 = arith.constant 5 : i32
        %dma_start3A_390 = arith.constant 128 : i32
        %dma_start3A_391 = arith.constant 0 : i32
        %dma_start3A_392 = tpu.memref_slice %arg18[%dma_start3A_390, %dma_start3A_391] : memref<256x128xf32, #tpu.memory_space<vmem>> -> memref<128x128xf32, #tpu.memory_space<vmem>>
        %dma_start3A_393 = arith.constant 0 : i32
        %dma_start3A_394 = tpu.memref_slice %arg20[%dma_start3A_389, %dma_start3A_393] : memref<8x128xi32, #tpu.memory_space<vmem>> -> memref<1x128xi32, #tpu.memory_space<vmem>>
        %dma_start3A_395 = tpu.memref_squeeze %dma_start3A_394 : memref<1x128xi32, #tpu.memory_space<vmem>> -> memref<128xi32, #tpu.memory_space<vmem>>
        %dma_start3A_396 = arith.constant 0 : i32
        %dma_start3A_397 = arith.constant 0 : i32
        %dma_start3A_398 = tpu.memref_slice %arg24[%dma_start3A_396, %dma_start3A_397] : memref<10008x128xf32, #tpu.memory_space<vmem_shared>> -> memref<10008x128xf32, #tpu.memory_space<vmem_shared>>
        tpu.enqueue_indirect_dma source(%dma_start3A_392 : memref<128x128xf32, #tpu.memory_space<vmem>>) target(%dma_start3A_398 : memref<10008x128xf32, #tpu.memory_space<vmem_shared>>) offsets(%dma_start3A_395 : memref<128xi32, #tpu.memory_space<vmem>>) semaphore(%arg28 : memref<!tpu.dma_semaphore, #tpu.memory_space<semaphore_mem>>) {add = true}
        %convert_element_type3A_399 = arith.extui %or3A : i1 to i32
        %cond3A_400 = arith.constant 0 : i32
        %cond3A_401 = arith.cmpi ne, %convert_element_type3A_399, %cond3A_400 : i32
        scf.if %cond3A_401 {
          %dma_start3A_511 = arith.constant 5 : i32
          %dma_start3A_512 = arith.constant 0 : i32
          %dma_start3A_513 = tpu.memref_slice %arg20[%dma_start3A_511, %dma_start3A_512] : memref<8x128xi32, #tpu.memory_space<vmem>> -> memref<1x128xi32, #tpu.memory_space<vmem>>
          %dma_start3A_514 = tpu.memref_squeeze %dma_start3A_513 : memref<1x128xi32, #tpu.memory_space<vmem>> -> memref<128xi32, #tpu.memory_space<vmem>>
          %dma_start3A_515 = arith.constant 0 : i32
          %dma_start3A_516 = tpu.memref_slice %arg25[%dma_start3A_515] : memref<10112xf32, #tpu.memory_space<vmem_shared>> -> memref<10112xf32, #tpu.memory_space<vmem_shared>>
          tpu.enqueue_indirect_dma source(%arg23 : memref<128xf32, #tpu.memory_space<vmem>>) target(%dma_start3A_516 : memref<10112xf32, #tpu.memory_space<vmem_shared>>) offsets(%dma_start3A_514 : memref<128xi32, #tpu.memory_space<vmem>>) semaphore(%arg29 : memref<!tpu.dma_semaphore, #tpu.memory_space<semaphore_mem>>) {add = true}
        } else {
        }
        %dma_wait3A_402 = arith.constant 4 : i32
        %dma_wait3A_403 = arith.constant 0 : i32
        %dma_wait3A_404 = arith.constant 0 : i32
        %dma_wait3A_405 = tpu.memref_slice %arg18[%dma_wait3A_403, %dma_wait3A_404] : memref<256x128xf32, #tpu.memory_space<vmem>> -> memref<128x128xf32, #tpu.memory_space<vmem>>
        %dma_wait3A_406 = arith.constant 0 : i32
        %dma_wait3A_407 = tpu.memref_slice %arg20[%dma_wait3A_402, %dma_wait3A_406] : memref<8x128xi32, #tpu.memory_space<vmem>> -> memref<1x128xi32, #tpu.memory_space<vmem>>
        %dma_wait3A_408 = tpu.memref_squeeze %dma_wait3A_407 : memref<1x128xi32, #tpu.memory_space<vmem>> -> memref<128xi32, #tpu.memory_space<vmem>>
        %dma_wait3A_409 = arith.constant 0 : i32
        %dma_wait3A_410 = arith.constant 0 : i32
        %dma_wait3A_411 = tpu.memref_slice %arg24[%dma_wait3A_409, %dma_wait3A_410] : memref<10008x128xf32, #tpu.memory_space<vmem_shared>> -> memref<10008x128xf32, #tpu.memory_space<vmem_shared>>
        tpu.wait_indirect_dma semaphore(%arg27 : memref<!tpu.dma_semaphore, #tpu.memory_space<semaphore_mem>>) src(%dma_wait3A_405 : memref<128x128xf32, #tpu.memory_space<vmem>>) dst(%dma_wait3A_411 : memref<10008x128xf32, #tpu.memory_space<vmem_shared>>)
        %dma_start3A_412 = arith.constant 6 : i32
        %dma_start3A_413 = arith.constant 0 : i32
        %dma_start3A_414 = arith.constant 0 : i32
        %dma_start3A_415 = tpu.memref_slice %arg18[%dma_start3A_413, %dma_start3A_414] : memref<256x128xf32, #tpu.memory_space<vmem>> -> memref<128x128xf32, #tpu.memory_space<vmem>>
        %dma_start3A_416 = arith.constant 0 : i32
        %dma_start3A_417 = tpu.memref_slice %arg19[%dma_start3A_412, %dma_start3A_416] : memref<8x128xi32, #tpu.memory_space<vmem>> -> memref<1x128xi32, #tpu.memory_space<vmem>>
        %dma_start3A_418 = tpu.memref_squeeze %dma_start3A_417 : memref<1x128xi32, #tpu.memory_space<vmem>> -> memref<128xi32, #tpu.memory_space<vmem>>
        %dma_start3A_419 = arith.constant 0 : i32
        %dma_start3A_420 = arith.constant 0 : i32
        %dma_start3A_421 = tpu.memref_slice %arg2[%dma_start3A_419, %dma_start3A_420] : memref<20000x128xf32, #tpu.memory_space<hbm>> -> memref<20000x128xf32, #tpu.memory_space<hbm>>
        tpu.enqueue_indirect_dma source(%dma_start3A_421 : memref<20000x128xf32, #tpu.memory_space<hbm>>) target(%dma_start3A_415 : memref<128x128xf32, #tpu.memory_space<vmem>>) offsets(%dma_start3A_418 : memref<128xi32, #tpu.memory_space<vmem>>) semaphore(%arg26 : memref<!tpu.dma_semaphore, #tpu.memory_space<semaphore_mem>>)
        %dma_wait3A_422 = arith.constant 6 : i32
        %dma_wait3A_423 = arith.constant 0 : i32
        %dma_wait3A_424 = arith.constant 0 : i32
        %dma_wait3A_425 = tpu.memref_slice %arg18[%dma_wait3A_423, %dma_wait3A_424] : memref<256x128xf32, #tpu.memory_space<vmem>> -> memref<128x128xf32, #tpu.memory_space<vmem>>
        %dma_wait3A_426 = arith.constant 0 : i32
        %dma_wait3A_427 = tpu.memref_slice %arg19[%dma_wait3A_422, %dma_wait3A_426] : memref<8x128xi32, #tpu.memory_space<vmem>> -> memref<1x128xi32, #tpu.memory_space<vmem>>
        %dma_wait3A_428 = tpu.memref_squeeze %dma_wait3A_427 : memref<1x128xi32, #tpu.memory_space<vmem>> -> memref<128xi32, #tpu.memory_space<vmem>>
        %dma_wait3A_429 = arith.constant 0 : i32
        %dma_wait3A_430 = arith.constant 0 : i32
        %dma_wait3A_431 = tpu.memref_slice %arg2[%dma_wait3A_429, %dma_wait3A_430] : memref<20000x128xf32, #tpu.memory_space<hbm>> -> memref<20000x128xf32, #tpu.memory_space<hbm>>
        tpu.wait_indirect_dma semaphore(%arg26 : memref<!tpu.dma_semaphore, #tpu.memory_space<semaphore_mem>>) src(%dma_wait3A_431 : memref<20000x128xf32, #tpu.memory_space<hbm>>) dst(%dma_wait3A_425 : memref<128x128xf32, #tpu.memory_space<vmem>>)
        %dma_start3A_432 = arith.constant 6 : i32
        %dma_start3A_433 = arith.constant 0 : i32
        %dma_start3A_434 = arith.constant 0 : i32
        %dma_start3A_435 = tpu.memref_slice %arg18[%dma_start3A_433, %dma_start3A_434] : memref<256x128xf32, #tpu.memory_space<vmem>> -> memref<128x128xf32, #tpu.memory_space<vmem>>
        %dma_start3A_436 = arith.constant 0 : i32
        %dma_start3A_437 = tpu.memref_slice %arg20[%dma_start3A_432, %dma_start3A_436] : memref<8x128xi32, #tpu.memory_space<vmem>> -> memref<1x128xi32, #tpu.memory_space<vmem>>
        %dma_start3A_438 = tpu.memref_squeeze %dma_start3A_437 : memref<1x128xi32, #tpu.memory_space<vmem>> -> memref<128xi32, #tpu.memory_space<vmem>>
        %dma_start3A_439 = arith.constant 0 : i32
        %dma_start3A_440 = arith.constant 0 : i32
        %dma_start3A_441 = tpu.memref_slice %arg24[%dma_start3A_439, %dma_start3A_440] : memref<10008x128xf32, #tpu.memory_space<vmem_shared>> -> memref<10008x128xf32, #tpu.memory_space<vmem_shared>>
        tpu.enqueue_indirect_dma source(%dma_start3A_435 : memref<128x128xf32, #tpu.memory_space<vmem>>) target(%dma_start3A_441 : memref<10008x128xf32, #tpu.memory_space<vmem_shared>>) offsets(%dma_start3A_438 : memref<128xi32, #tpu.memory_space<vmem>>) semaphore(%arg27 : memref<!tpu.dma_semaphore, #tpu.memory_space<semaphore_mem>>) {add = true}
        %convert_element_type3A_442 = arith.extui %or3A : i1 to i32
        %cond3A_443 = arith.constant 0 : i32
        %cond3A_444 = arith.cmpi ne, %convert_element_type3A_442, %cond3A_443 : i32
        scf.if %cond3A_444 {
          %dma_start3A_511 = arith.constant 6 : i32
          %dma_start3A_512 = arith.constant 0 : i32
          %dma_start3A_513 = tpu.memref_slice %arg20[%dma_start3A_511, %dma_start3A_512] : memref<8x128xi32, #tpu.memory_space<vmem>> -> memref<1x128xi32, #tpu.memory_space<vmem>>
          %dma_start3A_514 = tpu.memref_squeeze %dma_start3A_513 : memref<1x128xi32, #tpu.memory_space<vmem>> -> memref<128xi32, #tpu.memory_space<vmem>>
          %dma_start3A_515 = arith.constant 0 : i32
          %dma_start3A_516 = tpu.memref_slice %arg25[%dma_start3A_515] : memref<10112xf32, #tpu.memory_space<vmem_shared>> -> memref<10112xf32, #tpu.memory_space<vmem_shared>>
          tpu.enqueue_indirect_dma source(%arg23 : memref<128xf32, #tpu.memory_space<vmem>>) target(%dma_start3A_516 : memref<10112xf32, #tpu.memory_space<vmem_shared>>) offsets(%dma_start3A_514 : memref<128xi32, #tpu.memory_space<vmem>>) semaphore(%arg29 : memref<!tpu.dma_semaphore, #tpu.memory_space<semaphore_mem>>) {add = true}
        } else {
        }
        %dma_wait3A_445 = arith.constant 5 : i32
        %dma_wait3A_446 = arith.constant 128 : i32
        %dma_wait3A_447 = arith.constant 0 : i32
        %dma_wait3A_448 = tpu.memref_slice %arg18[%dma_wait3A_446, %dma_wait3A_447] : memref<256x128xf32, #tpu.memory_space<vmem>> -> memref<128x128xf32, #tpu.memory_space<vmem>>
        %dma_wait3A_449 = arith.constant 0 : i32
        %dma_wait3A_450 = tpu.memref_slice %arg20[%dma_wait3A_445, %dma_wait3A_449] : memref<8x128xi32, #tpu.memory_space<vmem>> -> memref<1x128xi32, #tpu.memory_space<vmem>>
        %dma_wait3A_451 = tpu.memref_squeeze %dma_wait3A_450 : memref<1x128xi32, #tpu.memory_space<vmem>> -> memref<128xi32, #tpu.memory_space<vmem>>
        %dma_wait3A_452 = arith.constant 0 : i32
        %dma_wait3A_453 = arith.constant 0 : i32
        %dma_wait3A_454 = tpu.memref_slice %arg24[%dma_wait3A_452, %dma_wait3A_453] : memref<10008x128xf32, #tpu.memory_space<vmem_shared>> -> memref<10008x128xf32, #tpu.memory_space<vmem_shared>>
        tpu.wait_indirect_dma semaphore(%arg28 : memref<!tpu.dma_semaphore, #tpu.memory_space<semaphore_mem>>) src(%dma_wait3A_448 : memref<128x128xf32, #tpu.memory_space<vmem>>) dst(%dma_wait3A_454 : memref<10008x128xf32, #tpu.memory_space<vmem_shared>>)
        %dma_start3A_455 = arith.constant 7 : i32
        %dma_start3A_456 = arith.constant 128 : i32
        %dma_start3A_457 = arith.constant 0 : i32
        %dma_start3A_458 = tpu.memref_slice %arg18[%dma_start3A_456, %dma_start3A_457] : memref<256x128xf32, #tpu.memory_space<vmem>> -> memref<128x128xf32, #tpu.memory_space<vmem>>
        %dma_start3A_459 = arith.constant 0 : i32
        %dma_start3A_460 = tpu.memref_slice %arg19[%dma_start3A_455, %dma_start3A_459] : memref<8x128xi32, #tpu.memory_space<vmem>> -> memref<1x128xi32, #tpu.memory_space<vmem>>
        %dma_start3A_461 = tpu.memref_squeeze %dma_start3A_460 : memref<1x128xi32, #tpu.memory_space<vmem>> -> memref<128xi32, #tpu.memory_space<vmem>>
        %dma_start3A_462 = arith.constant 0 : i32
        %dma_start3A_463 = arith.constant 0 : i32
        %dma_start3A_464 = tpu.memref_slice %arg2[%dma_start3A_462, %dma_start3A_463] : memref<20000x128xf32, #tpu.memory_space<hbm>> -> memref<20000x128xf32, #tpu.memory_space<hbm>>
        tpu.enqueue_indirect_dma source(%dma_start3A_464 : memref<20000x128xf32, #tpu.memory_space<hbm>>) target(%dma_start3A_458 : memref<128x128xf32, #tpu.memory_space<vmem>>) offsets(%dma_start3A_461 : memref<128xi32, #tpu.memory_space<vmem>>) semaphore(%arg26 : memref<!tpu.dma_semaphore, #tpu.memory_space<semaphore_mem>>)
        %dma_wait3A_465 = arith.constant 7 : i32
        %dma_wait3A_466 = arith.constant 128 : i32
        %dma_wait3A_467 = arith.constant 0 : i32
        %dma_wait3A_468 = tpu.memref_slice %arg18[%dma_wait3A_466, %dma_wait3A_467] : memref<256x128xf32, #tpu.memory_space<vmem>> -> memref<128x128xf32, #tpu.memory_space<vmem>>
        %dma_wait3A_469 = arith.constant 0 : i32
        %dma_wait3A_470 = tpu.memref_slice %arg19[%dma_wait3A_465, %dma_wait3A_469] : memref<8x128xi32, #tpu.memory_space<vmem>> -> memref<1x128xi32, #tpu.memory_space<vmem>>
        %dma_wait3A_471 = tpu.memref_squeeze %dma_wait3A_470 : memref<1x128xi32, #tpu.memory_space<vmem>> -> memref<128xi32, #tpu.memory_space<vmem>>
        %dma_wait3A_472 = arith.constant 0 : i32
        %dma_wait3A_473 = arith.constant 0 : i32
        %dma_wait3A_474 = tpu.memref_slice %arg2[%dma_wait3A_472, %dma_wait3A_473] : memref<20000x128xf32, #tpu.memory_space<hbm>> -> memref<20000x128xf32, #tpu.memory_space<hbm>>
        tpu.wait_indirect_dma semaphore(%arg26 : memref<!tpu.dma_semaphore, #tpu.memory_space<semaphore_mem>>) src(%dma_wait3A_474 : memref<20000x128xf32, #tpu.memory_space<hbm>>) dst(%dma_wait3A_468 : memref<128x128xf32, #tpu.memory_space<vmem>>)
        %dma_start3A_475 = arith.constant 7 : i32
        %dma_start3A_476 = arith.constant 128 : i32
        %dma_start3A_477 = arith.constant 0 : i32
        %dma_start3A_478 = tpu.memref_slice %arg18[%dma_start3A_476, %dma_start3A_477] : memref<256x128xf32, #tpu.memory_space<vmem>> -> memref<128x128xf32, #tpu.memory_space<vmem>>
        %dma_start3A_479 = arith.constant 0 : i32
        %dma_start3A_480 = tpu.memref_slice %arg20[%dma_start3A_475, %dma_start3A_479] : memref<8x128xi32, #tpu.memory_space<vmem>> -> memref<1x128xi32, #tpu.memory_space<vmem>>
        %dma_start3A_481 = tpu.memref_squeeze %dma_start3A_480 : memref<1x128xi32, #tpu.memory_space<vmem>> -> memref<128xi32, #tpu.memory_space<vmem>>
        %dma_start3A_482 = arith.constant 0 : i32
        %dma_start3A_483 = arith.constant 0 : i32
        %dma_start3A_484 = tpu.memref_slice %arg24[%dma_start3A_482, %dma_start3A_483] : memref<10008x128xf32, #tpu.memory_space<vmem_shared>> -> memref<10008x128xf32, #tpu.memory_space<vmem_shared>>
        tpu.enqueue_indirect_dma source(%dma_start3A_478 : memref<128x128xf32, #tpu.memory_space<vmem>>) target(%dma_start3A_484 : memref<10008x128xf32, #tpu.memory_space<vmem_shared>>) offsets(%dma_start3A_481 : memref<128xi32, #tpu.memory_space<vmem>>) semaphore(%arg28 : memref<!tpu.dma_semaphore, #tpu.memory_space<semaphore_mem>>) {add = true}
        %convert_element_type3A_485 = arith.extui %or3A : i1 to i32
        %cond3A_486 = arith.constant 0 : i32
        %cond3A_487 = arith.cmpi ne, %convert_element_type3A_485, %cond3A_486 : i32
        scf.if %cond3A_487 {
          %dma_start3A_511 = arith.constant 7 : i32
          %dma_start3A_512 = arith.constant 0 : i32
          %dma_start3A_513 = tpu.memref_slice %arg20[%dma_start3A_511, %dma_start3A_512] : memref<8x128xi32, #tpu.memory_space<vmem>> -> memref<1x128xi32, #tpu.memory_space<vmem>>
          %dma_start3A_514 = tpu.memref_squeeze %dma_start3A_513 : memref<1x128xi32, #tpu.memory_space<vmem>> -> memref<128xi32, #tpu.memory_space<vmem>>
          %dma_start3A_515 = arith.constant 0 : i32
          %dma_start3A_516 = tpu.memref_slice %arg25[%dma_start3A_515] : memref<10112xf32, #tpu.memory_space<vmem_shared>> -> memref<10112xf32, #tpu.memory_space<vmem_shared>>
          tpu.enqueue_indirect_dma source(%arg23 : memref<128xf32, #tpu.memory_space<vmem>>) target(%dma_start3A_516 : memref<10112xf32, #tpu.memory_space<vmem_shared>>) offsets(%dma_start3A_514 : memref<128xi32, #tpu.memory_space<vmem>>) semaphore(%arg29 : memref<!tpu.dma_semaphore, #tpu.memory_space<semaphore_mem>>) {add = true}
        } else {
        }
        %dma_wait3A_488 = arith.constant 6 : i32
        %dma_wait3A_489 = arith.constant 0 : i32
        %dma_wait3A_490 = arith.constant 0 : i32
        %dma_wait3A_491 = tpu.memref_slice %arg18[%dma_wait3A_489, %dma_wait3A_490] : memref<256x128xf32, #tpu.memory_space<vmem>> -> memref<128x128xf32, #tpu.memory_space<vmem>>
        %dma_wait3A_492 = arith.constant 0 : i32
        %dma_wait3A_493 = tpu.memref_slice %arg20[%dma_wait3A_488, %dma_wait3A_492] : memref<8x128xi32, #tpu.memory_space<vmem>> -> memref<1x128xi32, #tpu.memory_space<vmem>>
        %dma_wait3A_494 = tpu.memref_squeeze %dma_wait3A_493 : memref<1x128xi32, #tpu.memory_space<vmem>> -> memref<128xi32, #tpu.memory_space<vmem>>
        %dma_wait3A_495 = arith.constant 0 : i32
        %dma_wait3A_496 = arith.constant 0 : i32
        %dma_wait3A_497 = tpu.memref_slice %arg24[%dma_wait3A_495, %dma_wait3A_496] : memref<10008x128xf32, #tpu.memory_space<vmem_shared>> -> memref<10008x128xf32, #tpu.memory_space<vmem_shared>>
        tpu.wait_indirect_dma semaphore(%arg27 : memref<!tpu.dma_semaphore, #tpu.memory_space<semaphore_mem>>) src(%dma_wait3A_491 : memref<128x128xf32, #tpu.memory_space<vmem>>) dst(%dma_wait3A_497 : memref<10008x128xf32, #tpu.memory_space<vmem_shared>>)
        %dma_wait3A_498 = arith.constant 7 : i32
        %dma_wait3A_499 = arith.constant 128 : i32
        %dma_wait3A_500 = arith.constant 0 : i32
        %dma_wait3A_501 = tpu.memref_slice %arg18[%dma_wait3A_499, %dma_wait3A_500] : memref<256x128xf32, #tpu.memory_space<vmem>> -> memref<128x128xf32, #tpu.memory_space<vmem>>
        %dma_wait3A_502 = arith.constant 0 : i32
        %dma_wait3A_503 = tpu.memref_slice %arg20[%dma_wait3A_498, %dma_wait3A_502] : memref<8x128xi32, #tpu.memory_space<vmem>> -> memref<1x128xi32, #tpu.memory_space<vmem>>
        %dma_wait3A_504 = tpu.memref_squeeze %dma_wait3A_503 : memref<1x128xi32, #tpu.memory_space<vmem>> -> memref<128xi32, #tpu.memory_space<vmem>>
        %dma_wait3A_505 = arith.constant 0 : i32
        %dma_wait3A_506 = arith.constant 0 : i32
        %dma_wait3A_507 = tpu.memref_slice %arg24[%dma_wait3A_505, %dma_wait3A_506] : memref<10008x128xf32, #tpu.memory_space<vmem_shared>> -> memref<10008x128xf32, #tpu.memory_space<vmem_shared>>
        tpu.wait_indirect_dma semaphore(%arg28 : memref<!tpu.dma_semaphore, #tpu.memory_space<semaphore_mem>>) src(%dma_wait3A_501 : memref<128x128xf32, #tpu.memory_space<vmem>>) dst(%dma_wait3A_507 : memref<10008x128xf32, #tpu.memory_space<vmem_shared>>)
        %convert_element_type3A_508 = arith.extui %or3A : i1 to i32
        %cond3A_509 = arith.constant 0 : i32
        %cond3A_510 = arith.cmpi ne, %convert_element_type3A_508, %cond3A_509 : i32
        scf.if %cond3A_510 {
          %dma_wait3A_511 = arith.constant 0 : i32
          %dma_wait3A_512 = tpu.memref_slice %arg20[%squeeze3A, %dma_wait3A_511] : memref<8x128xi32, #tpu.memory_space<vmem>> -> memref<1x128xi32, #tpu.memory_space<vmem>>
          %dma_wait3A_513 = tpu.memref_squeeze %dma_wait3A_512 : memref<1x128xi32, #tpu.memory_space<vmem>> -> memref<128xi32, #tpu.memory_space<vmem>>
          %dma_wait3A_514 = arith.constant 0 : i32
          %dma_wait3A_515 = tpu.memref_slice %arg25[%dma_wait3A_514] : memref<10112xf32, #tpu.memory_space<vmem_shared>> -> memref<10112xf32, #tpu.memory_space<vmem_shared>>
          tpu.wait_indirect_dma semaphore(%arg29 : memref<!tpu.dma_semaphore, #tpu.memory_space<semaphore_mem>>) src(%arg23 : memref<128xf32, #tpu.memory_space<vmem>>) dst(%dma_wait3A_515 : memref<10112xf32, #tpu.memory_space<vmem_shared>>)
          %dma_wait3A_516 = arith.constant 0 : i32
          %dma_wait3A_517 = tpu.memref_slice %arg20[%squeeze3A_13, %dma_wait3A_516] : memref<8x128xi32, #tpu.memory_space<vmem>> -> memref<1x128xi32, #tpu.memory_space<vmem>>
          %dma_wait3A_518 = tpu.memref_squeeze %dma_wait3A_517 : memref<1x128xi32, #tpu.memory_space<vmem>> -> memref<128xi32, #tpu.memory_space<vmem>>
          %dma_wait3A_519 = arith.constant 0 : i32
          %dma_wait3A_520 = tpu.memref_slice %arg25[%dma_wait3A_519] : memref<10112xf32, #tpu.memory_space<vmem_shared>> -> memref<10112xf32, #tpu.memory_space<vmem_shared>>
          tpu.wait_indirect_dma semaphore(%arg29 : memref<!tpu.dma_semaphore, #tpu.memory_space<semaphore_mem>>) src(%arg23 : memref<128xf32, #tpu.memory_space<vmem>>) dst(%dma_wait3A_520 : memref<10112xf32, #tpu.memory_space<vmem_shared>>)
          %dma_wait3A_521 = arith.constant 0 : i32
          %dma_wait3A_522 = tpu.memref_slice %arg20[%squeeze3A_18, %dma_wait3A_521] : memref<8x128xi32, #tpu.memory_space<vmem>> -> memref<1x128xi32, #tpu.memory_space<vmem>>
          %dma_wait3A_523 = tpu.memref_squeeze %dma_wait3A_522 : memref<1x128xi32, #tpu.memory_space<vmem>> -> memref<128xi32, #tpu.memory_space<vmem>>
          %dma_wait3A_524 = arith.constant 0 : i32
          %dma_wait3A_525 = tpu.memref_slice %arg25[%dma_wait3A_524] : memref<10112xf32, #tpu.memory_space<vmem_shared>> -> memref<10112xf32, #tpu.memory_space<vmem_shared>>
          tpu.wait_indirect_dma semaphore(%arg29 : memref<!tpu.dma_semaphore, #tpu.memory_space<semaphore_mem>>) src(%arg23 : memref<128xf32, #tpu.memory_space<vmem>>) dst(%dma_wait3A_525 : memref<10112xf32, #tpu.memory_space<vmem_shared>>)
          %dma_wait3A_526 = arith.constant 0 : i32
          %dma_wait3A_527 = tpu.memref_slice %arg20[%squeeze3A_23, %dma_wait3A_526] : memref<8x128xi32, #tpu.memory_space<vmem>> -> memref<1x128xi32, #tpu.memory_space<vmem>>
          %dma_wait3A_528 = tpu.memref_squeeze %dma_wait3A_527 : memref<1x128xi32, #tpu.memory_space<vmem>> -> memref<128xi32, #tpu.memory_space<vmem>>
          %dma_wait3A_529 = arith.constant 0 : i32
          %dma_wait3A_530 = tpu.memref_slice %arg25[%dma_wait3A_529] : memref<10112xf32, #tpu.memory_space<vmem_shared>> -> memref<10112xf32, #tpu.memory_space<vmem_shared>>
          tpu.wait_indirect_dma semaphore(%arg29 : memref<!tpu.dma_semaphore, #tpu.memory_space<semaphore_mem>>) src(%arg23 : memref<128xf32, #tpu.memory_space<vmem>>) dst(%dma_wait3A_530 : memref<10112xf32, #tpu.memory_space<vmem_shared>>)
          %dma_wait3A_531 = arith.constant 0 : i32
          %dma_wait3A_532 = tpu.memref_slice %arg20[%squeeze3A_28, %dma_wait3A_531] : memref<8x128xi32, #tpu.memory_space<vmem>> -> memref<1x128xi32, #tpu.memory_space<vmem>>
          %dma_wait3A_533 = tpu.memref_squeeze %dma_wait3A_532 : memref<1x128xi32, #tpu.memory_space<vmem>> -> memref<128xi32, #tpu.memory_space<vmem>>
          %dma_wait3A_534 = arith.constant 0 : i32
          %dma_wait3A_535 = tpu.memref_slice %arg25[%dma_wait3A_534] : memref<10112xf32, #tpu.memory_space<vmem_shared>> -> memref<10112xf32, #tpu.memory_space<vmem_shared>>
          tpu.wait_indirect_dma semaphore(%arg29 : memref<!tpu.dma_semaphore, #tpu.memory_space<semaphore_mem>>) src(%arg23 : memref<128xf32, #tpu.memory_space<vmem>>) dst(%dma_wait3A_535 : memref<10112xf32, #tpu.memory_space<vmem_shared>>)
          %dma_wait3A_536 = arith.constant 0 : i32
          %dma_wait3A_537 = tpu.memref_slice %arg20[%squeeze3A_33, %dma_wait3A_536] : memref<8x128xi32, #tpu.memory_space<vmem>> -> memref<1x128xi32, #tpu.memory_space<vmem>>
          %dma_wait3A_538 = tpu.memref_squeeze %dma_wait3A_537 : memref<1x128xi32, #tpu.memory_space<vmem>> -> memref<128xi32, #tpu.memory_space<vmem>>
          %dma_wait3A_539 = arith.constant 0 : i32
          %dma_wait3A_540 = tpu.memref_slice %arg25[%dma_wait3A_539] : memref<10112xf32, #tpu.memory_space<vmem_shared>> -> memref<10112xf32, #tpu.memory_space<vmem_shared>>
          tpu.wait_indirect_dma semaphore(%arg29 : memref<!tpu.dma_semaphore, #tpu.memory_space<semaphore_mem>>) src(%arg23 : memref<128xf32, #tpu.memory_space<vmem>>) dst(%dma_wait3A_540 : memref<10112xf32, #tpu.memory_space<vmem_shared>>)
          %dma_wait3A_541 = arith.constant 0 : i32
          %dma_wait3A_542 = tpu.memref_slice %arg20[%squeeze3A_38, %dma_wait3A_541] : memref<8x128xi32, #tpu.memory_space<vmem>> -> memref<1x128xi32, #tpu.memory_space<vmem>>
          %dma_wait3A_543 = tpu.memref_squeeze %dma_wait3A_542 : memref<1x128xi32, #tpu.memory_space<vmem>> -> memref<128xi32, #tpu.memory_space<vmem>>
          %dma_wait3A_544 = arith.constant 0 : i32
          %dma_wait3A_545 = tpu.memref_slice %arg25[%dma_wait3A_544] : memref<10112xf32, #tpu.memory_space<vmem_shared>> -> memref<10112xf32, #tpu.memory_space<vmem_shared>>
          tpu.wait_indirect_dma semaphore(%arg29 : memref<!tpu.dma_semaphore, #tpu.memory_space<semaphore_mem>>) src(%arg23 : memref<128xf32, #tpu.memory_space<vmem>>) dst(%dma_wait3A_545 : memref<10112xf32, #tpu.memory_space<vmem_shared>>)
          %dma_wait3A_546 = arith.constant 0 : i32
          %dma_wait3A_547 = tpu.memref_slice %arg20[%squeeze3A_43, %dma_wait3A_546] : memref<8x128xi32, #tpu.memory_space<vmem>> -> memref<1x128xi32, #tpu.memory_space<vmem>>
          %dma_wait3A_548 = tpu.memref_squeeze %dma_wait3A_547 : memref<1x128xi32, #tpu.memory_space<vmem>> -> memref<128xi32, #tpu.memory_space<vmem>>
          %dma_wait3A_549 = arith.constant 0 : i32
          %dma_wait3A_550 = tpu.memref_slice %arg25[%dma_wait3A_549] : memref<10112xf32, #tpu.memory_space<vmem_shared>> -> memref<10112xf32, #tpu.memory_space<vmem_shared>>
          tpu.wait_indirect_dma semaphore(%arg29 : memref<!tpu.dma_semaphore, #tpu.memory_space<semaphore_mem>>) src(%arg23 : memref<128xf32, #tpu.memory_space<vmem>>) dst(%dma_wait3A_550 : memref<10112xf32, #tpu.memory_space<vmem_shared>>)
        } else {
        }
      } else {
      }
    }
    %scan3A_125 = arith.constant 20 : i32
    %barrier3A_126 = arith.constant 0 : index
    tpu.barrier barrier_id(%barrier3A_126)
    %eq3A_127 = arith.constant 0 : i32
    %eq3A_128 = arith.cmpi eq, %arg0, %eq3A_127 : i32
    %convert_element_type3A_129 = arith.extui %eq3A_128 : i1 to i32
    %cond3A_130 = arith.constant 0 : i32
    %cond3A_131 = arith.cmpi ne, %convert_element_type3A_129, %cond3A_130 : i32
    scf.if %cond3A_131 {
      "tpu.region"() ({
        %run_scoped3A = tpu.sem_alloc : memref<!tpu.dma_semaphore, #tpu.memory_space<semaphore_mem>>
        %dma_start3A = arith.constant 0 : i32
        %dma_start3A_147 = tpu.memref_slice %arg14[%mul3A_89, %dma_start3A] : memref<10000x128xf32, #tpu.memory_space<hbm>> -> memref<624x128xf32, #tpu.memory_space<hbm>>
        %dma_start3A_148 = arith.constant 0 : i32
        %dma_start3A_149 = tpu.memref_slice %arg24[%mul3A_89, %dma_start3A_148] : memref<10008x128xf32, #tpu.memory_space<vmem_shared>> -> memref<624x128xf32, #tpu.memory_space<vmem_shared>>
        tpu.enqueue_dma source(%dma_start3A_149 : memref<624x128xf32, #tpu.memory_space<vmem_shared>>) target(%dma_start3A_147 : memref<624x128xf32, #tpu.memory_space<hbm>>) target_semaphore(%run_scoped3A : memref<!tpu.dma_semaphore, #tpu.memory_space<semaphore_mem>>)
        %dma_wait3A = arith.constant 0 : i32
        %dma_wait3A_150 = tpu.memref_slice %arg14[%mul3A_89, %dma_wait3A] : memref<10000x128xf32, #tpu.memory_space<hbm>> -> memref<624x128xf32, #tpu.memory_space<hbm>>
        %dma_wait3A_151 = arith.constant 0 : i32
        %dma_wait3A_152 = tpu.memref_slice %arg24[%mul3A_89, %dma_wait3A_151] : memref<10008x128xf32, #tpu.memory_space<vmem_shared>> -> memref<624x128xf32, #tpu.memory_space<vmem_shared>>
        tpu.wait_dma2 semaphore(%run_scoped3A : memref<!tpu.dma_semaphore, #tpu.memory_space<semaphore_mem>>) src(%dma_wait3A_152 : memref<624x128xf32, #tpu.memory_space<vmem_shared>>) dst(%dma_wait3A_150 : memref<624x128xf32, #tpu.memory_space<hbm>>)
        tpu.yield
      }) : () -> ()
      %eq3A_137 = arith.constant 15 : i32
      %eq3A_138 = arith.cmpi eq, %arg1, %eq3A_137 : i32
      %convert_element_type3A_139 = arith.extui %eq3A_138 : i1 to i32
      %cond3A_140 = arith.constant 0 : i32
      %cond3A_141 = arith.cmpi ne, %convert_element_type3A_139, %cond3A_140 : i32
      scf.if %cond3A_141 {
        "tpu.region"() ({
          %run_scoped3A = tpu.sem_alloc : memref<!tpu.dma_semaphore, #tpu.memory_space<semaphore_mem>>
          %dma_start3A = arith.constant 9984 : i32
          %dma_start3A_147 = arith.constant 0 : i32
          %dma_start3A_148 = tpu.memref_slice %arg14[%dma_start3A, %dma_start3A_147] : memref<10000x128xf32, #tpu.memory_space<hbm>> -> memref<16x128xf32, #tpu.memory_space<hbm>>
          %dma_start3A_149 = arith.constant 9984 : i32
          %dma_start3A_150 = arith.constant 0 : i32
          %dma_start3A_151 = tpu.memref_slice %arg24[%dma_start3A_149, %dma_start3A_150] : memref<10008x128xf32, #tpu.memory_space<vmem_shared>> -> memref<16x128xf32, #tpu.memory_space<vmem_shared>>
          tpu.enqueue_dma source(%dma_start3A_151 : memref<16x128xf32, #tpu.memory_space<vmem_shared>>) target(%dma_start3A_148 : memref<16x128xf32, #tpu.memory_space<hbm>>) target_semaphore(%run_scoped3A : memref<!tpu.dma_semaphore, #tpu.memory_space<semaphore_mem>>)
          %dma_wait3A = arith.constant 9984 : i32
          %dma_wait3A_152 = arith.constant 0 : i32
          %dma_wait3A_153 = tpu.memref_slice %arg14[%dma_wait3A, %dma_wait3A_152] : memref<10000x128xf32, #tpu.memory_space<hbm>> -> memref<16x128xf32, #tpu.memory_space<hbm>>
          %dma_wait3A_154 = arith.constant 9984 : i32
          %dma_wait3A_155 = arith.constant 0 : i32
          %dma_wait3A_156 = tpu.memref_slice %arg24[%dma_wait3A_154, %dma_wait3A_155] : memref<10008x128xf32, #tpu.memory_space<vmem_shared>> -> memref<16x128xf32, #tpu.memory_space<vmem_shared>>
          tpu.wait_dma2 semaphore(%run_scoped3A : memref<!tpu.dma_semaphore, #tpu.memory_space<semaphore_mem>>) src(%dma_wait3A_156 : memref<16x128xf32, #tpu.memory_space<vmem_shared>>) dst(%dma_wait3A_153 : memref<16x128xf32, #tpu.memory_space<hbm>>)
          tpu.yield
        }) : () -> ()
      } else {
      }
      %eq3A_142 = arith.constant 0 : i32
      %eq3A_143 = arith.cmpi eq, %arg1, %eq3A_142 : i32
      %convert_element_type3A_144 = arith.extui %eq3A_143 : i1 to i32
      %cond3A_145 = arith.constant 0 : i32
      %cond3A_146 = arith.cmpi ne, %convert_element_type3A_144, %cond3A_145 : i32
      scf.if %cond3A_146 {
        "tpu.region"() ({
          %run_scoped3A = tpu.sem_alloc : memref<!tpu.dma_semaphore, #tpu.memory_space<semaphore_mem>>
          tpu.enqueue_dma source(%arg25 : memref<10112xf32, #tpu.memory_space<vmem_shared>>) target(%arg16 : memref<10112xf32, #tpu.memory_space<hbm>>) target_semaphore(%run_scoped3A : memref<!tpu.dma_semaphore, #tpu.memory_space<semaphore_mem>>)
          tpu.wait_dma2 semaphore(%run_scoped3A : memref<!tpu.dma_semaphore, #tpu.memory_space<semaphore_mem>>) src(%arg25 : memref<10112xf32, #tpu.memory_space<vmem_shared>>) dst(%arg16 : memref<10112xf32, #tpu.memory_space<hbm>>)
          tpu.yield
        }) : () -> ()
      } else {
      }
    } else {
    }
    %eq3A_132 = arith.constant 1 : i32
    %eq3A_133 = arith.cmpi eq, %arg0, %eq3A_132 : i32
    %convert_element_type3A_134 = arith.extui %eq3A_133 : i1 to i32
    %cond3A_135 = arith.constant 0 : i32
    %cond3A_136 = arith.cmpi ne, %convert_element_type3A_134, %cond3A_135 : i32
    scf.if %cond3A_136 {
      "tpu.region"() ({
        %run_scoped3A = tpu.sem_alloc : memref<!tpu.dma_semaphore, #tpu.memory_space<semaphore_mem>>
        %dma_start3A = arith.constant 0 : i32
        %dma_start3A_147 = tpu.memref_slice %arg15[%mul3A_89, %dma_start3A] : memref<10000x128xf32, #tpu.memory_space<hbm>> -> memref<624x128xf32, #tpu.memory_space<hbm>>
        %dma_start3A_148 = arith.constant 0 : i32
        %dma_start3A_149 = tpu.memref_slice %arg24[%mul3A_89, %dma_start3A_148] : memref<10008x128xf32, #tpu.memory_space<vmem_shared>> -> memref<624x128xf32, #tpu.memory_space<vmem_shared>>
        tpu.enqueue_dma source(%dma_start3A_149 : memref<624x128xf32, #tpu.memory_space<vmem_shared>>) target(%dma_start3A_147 : memref<624x128xf32, #tpu.memory_space<hbm>>) target_semaphore(%run_scoped3A : memref<!tpu.dma_semaphore, #tpu.memory_space<semaphore_mem>>)
        %dma_wait3A = arith.constant 0 : i32
        %dma_wait3A_150 = tpu.memref_slice %arg15[%mul3A_89, %dma_wait3A] : memref<10000x128xf32, #tpu.memory_space<hbm>> -> memref<624x128xf32, #tpu.memory_space<hbm>>
        %dma_wait3A_151 = arith.constant 0 : i32
        %dma_wait3A_152 = tpu.memref_slice %arg24[%mul3A_89, %dma_wait3A_151] : memref<10008x128xf32, #tpu.memory_space<vmem_shared>> -> memref<624x128xf32, #tpu.memory_space<vmem_shared>>
        tpu.wait_dma2 semaphore(%run_scoped3A : memref<!tpu.dma_semaphore, #tpu.memory_space<semaphore_mem>>) src(%dma_wait3A_152 : memref<624x128xf32, #tpu.memory_space<vmem_shared>>) dst(%dma_wait3A_150 : memref<624x128xf32, #tpu.memory_space<hbm>>)
        tpu.yield
      }) : () -> ()
      %eq3A_137 = arith.constant 15 : i32
      %eq3A_138 = arith.cmpi eq, %arg1, %eq3A_137 : i32
      %convert_element_type3A_139 = arith.extui %eq3A_138 : i1 to i32
      %cond3A_140 = arith.constant 0 : i32
      %cond3A_141 = arith.cmpi ne, %convert_element_type3A_139, %cond3A_140 : i32
      scf.if %cond3A_141 {
        "tpu.region"() ({
          %run_scoped3A = tpu.sem_alloc : memref<!tpu.dma_semaphore, #tpu.memory_space<semaphore_mem>>
          %dma_start3A = arith.constant 9984 : i32
          %dma_start3A_147 = arith.constant 0 : i32
          %dma_start3A_148 = tpu.memref_slice %arg15[%dma_start3A, %dma_start3A_147] : memref<10000x128xf32, #tpu.memory_space<hbm>> -> memref<16x128xf32, #tpu.memory_space<hbm>>
          %dma_start3A_149 = arith.constant 9984 : i32
          %dma_start3A_150 = arith.constant 0 : i32
          %dma_start3A_151 = tpu.memref_slice %arg24[%dma_start3A_149, %dma_start3A_150] : memref<10008x128xf32, #tpu.memory_space<vmem_shared>> -> memref<16x128xf32, #tpu.memory_space<vmem_shared>>
          tpu.enqueue_dma source(%dma_start3A_151 : memref<16x128xf32, #tpu.memory_space<vmem_shared>>) target(%dma_start3A_148 : memref<16x128xf32, #tpu.memory_space<hbm>>) target_semaphore(%run_scoped3A : memref<!tpu.dma_semaphore, #tpu.memory_space<semaphore_mem>>)
          %dma_wait3A = arith.constant 9984 : i32
          %dma_wait3A_152 = arith.constant 0 : i32
          %dma_wait3A_153 = tpu.memref_slice %arg15[%dma_wait3A, %dma_wait3A_152] : memref<10000x128xf32, #tpu.memory_space<hbm>> -> memref<16x128xf32, #tpu.memory_space<hbm>>
          %dma_wait3A_154 = arith.constant 9984 : i32
          %dma_wait3A_155 = arith.constant 0 : i32
          %dma_wait3A_156 = tpu.memref_slice %arg24[%dma_wait3A_154, %dma_wait3A_155] : memref<10008x128xf32, #tpu.memory_space<vmem_shared>> -> memref<16x128xf32, #tpu.memory_space<vmem_shared>>
          tpu.wait_dma2 semaphore(%run_scoped3A : memref<!tpu.dma_semaphore, #tpu.memory_space<semaphore_mem>>) src(%dma_wait3A_156 : memref<16x128xf32, #tpu.memory_space<vmem_shared>>) dst(%dma_wait3A_153 : memref<16x128xf32, #tpu.memory_space<hbm>>)
          tpu.yield
        }) : () -> ()
      } else {
      }
      %eq3A_142 = arith.constant 0 : i32
      %eq3A_143 = arith.cmpi eq, %arg1, %eq3A_142 : i32
      %convert_element_type3A_144 = arith.extui %eq3A_143 : i1 to i32
      %cond3A_145 = arith.constant 0 : i32
      %cond3A_146 = arith.cmpi ne, %convert_element_type3A_144, %cond3A_145 : i32
      scf.if %cond3A_146 {
        "tpu.region"() ({
          %run_scoped3A = tpu.sem_alloc : memref<!tpu.dma_semaphore, #tpu.memory_space<semaphore_mem>>
          tpu.enqueue_dma source(%arg25 : memref<10112xf32, #tpu.memory_space<vmem_shared>>) target(%arg17 : memref<10112xf32, #tpu.memory_space<hbm>>) target_semaphore(%run_scoped3A : memref<!tpu.dma_semaphore, #tpu.memory_space<semaphore_mem>>)
          tpu.wait_dma2 semaphore(%run_scoped3A : memref<!tpu.dma_semaphore, #tpu.memory_space<semaphore_mem>>) src(%arg25 : memref<10112xf32, #tpu.memory_space<vmem_shared>>) dst(%arg17 : memref<10112xf32, #tpu.memory_space<hbm>>)
          tpu.yield
        }) : () -> ()
      } else {
      }
    } else {
    }
    return
  }
}

module attributes {stable_mosaic.version = 14 : i64} {
  func.func @_tc_evt_body(%arg0: i32, %arg1: memref<2000x128xf32, #tpu.memory_space<vmem>>, %arg2: memref<128x256xf32, #tpu.memory_space<vmem>>, %arg3: memref<1x256xf32, #tpu.memory_space<vmem>>, %arg4: memref<2x2000x128xf32, #tpu.memory_space<vmem>>) attributes {dimension_semantics = [#tpu.dimension_semantics<arbitrary>], iteration_bounds = array<i64: 5>, scalar_prefetch = 0 : i64, scratch_operands = 0 : i64, tpu.core_type = #tpu.core_type<tc>, window_params = [{transform_indices = @transform_0, window_bounds = array<i64: 2000, 128>}, {pipeline_mode = #tpu.pipeline_mode<synchronous>, transform_indices = @transform_1, window_bounds = array<i64: 128, 256>}, {pipeline_mode = #tpu.pipeline_mode<synchronous>, transform_indices = @transform_2, window_bounds = array<i64: 1, 256>}, {transform_indices = @transform_3, window_bounds = array<i64: 2, 2000, 128>}]} {
    %get3A = arith.constant 0 : index
    %get3A_0 = arith.constant 0 : index
    %get3A_1 = vector.load %arg1[%get3A, %get3A_0] : memref<2000x128xf32, #tpu.memory_space<vmem>>, vector<2000x128xf32>
    %get3A_2 = arith.constant 0 : index
    %get3A_3 = arith.constant 0 : index
    %get3A_4 = vector.load %arg2[%get3A_2, %get3A_3] : memref<128x256xf32, #tpu.memory_space<vmem>>, vector<128x256xf32>
    %dot_general3A = arith.constant dense<0.000000e+00> : vector<2000x256xf32>
    %dot_general3A_5 = tpu.matmul %get3A_1, %get3A_4, %dot_general3A {dimension_numbers = #tpu.dot_dimension_numbers<[1], [0], [0], [1], [0, 0, 1, 1], [], []>, transpose_lhs_hint = false} : vector<2000x128xf32>, vector<128x256xf32>, vector<2000x256xf32> -> vector<2000x256xf32>
    %get3A_6 = arith.constant 0 : index
    %get3A_7 = arith.constant 0 : index
    %get3A_8 = vector.load %arg3[%get3A_6, %get3A_7] : memref<1x256xf32, #tpu.memory_space<vmem>>, vector<1x256xf32>
    %add3A = vector.broadcast %get3A_8 : vector<1x256xf32> to vector<2000x256xf32>
    %add3A_9 = arith.addf %dot_general3A_5, %add3A : vector<2000x256xf32>
    %max3A = arith.constant 0.000000e+00 : f32
    %max3A_10 = vector.broadcast %max3A : f32 to vector<2000x256xf32>
    %max3A_11 = arith.maximumf %add3A_9, %max3A_10 : vector<2000x256xf32>
    %slice3A = vector.extract_strided_slice %max3A_11 {offsets = [0, 0], sizes = [2000, 128], strides = [1, 1]} : vector<2000x256xf32> to vector<2000x128xf32>
    %swap3A = arith.constant 0 : index
    %swap3A_12 = arith.constant 0 : index
    %swap3A_13 = arith.constant 0 : index
    %swap3A_14 = vector.load %arg4[%swap3A, %swap3A_12, %swap3A_13] : memref<2x2000x128xf32, #tpu.memory_space<vmem>>, vector<1x2000x128xf32>
    %swap3A_15 = vector.shape_cast %swap3A_14 : vector<1x2000x128xf32> to vector<2000x128xf32>
    %swap3A_16 = vector.shape_cast %slice3A : vector<2000x128xf32> to vector<1x2000x128xf32>
    tpu.vector_store %arg4[%swap3A, %swap3A_12, %swap3A_13], %swap3A_16 {strides = array<i32>} : memref<2x2000x128xf32, #tpu.memory_space<vmem>>, vector<1x2000x128xf32>,
    %slice3A_17 = vector.extract_strided_slice %max3A_11 {offsets = [0, 128], sizes = [2000, 128], strides = [1, 1]} : vector<2000x256xf32> to vector<2000x128xf32>
    %swap3A_18 = arith.constant 1 : index
    %swap3A_19 = arith.constant 0 : index
    %swap3A_20 = arith.constant 0 : index
    %swap3A_21 = vector.load %arg4[%swap3A_18, %swap3A_19, %swap3A_20] : memref<2x2000x128xf32, #tpu.memory_space<vmem>>, vector<1x2000x128xf32>
    %swap3A_22 = vector.shape_cast %swap3A_21 : vector<1x2000x128xf32> to vector<2000x128xf32>
    %swap3A_23 = vector.shape_cast %slice3A_17 : vector<2000x128xf32> to vector<1x2000x128xf32>
    tpu.vector_store %arg4[%swap3A_18, %swap3A_19, %swap3A_20], %swap3A_23 {strides = array<i32>} : memref<2x2000x128xf32, #tpu.memory_space<vmem>>, vector<1x2000x128xf32>,
    return
  }
  func.func @transform_0(%arg0: i32) -> (i32, i32) {
    %c0_i32 = arith.constant 0 : i32
    %c0_i32_0 = arith.constant 0 : i32
    return %arg0, %c0_i32 : i32, i32
  }
  func.func @transform_1(%arg0: i32) -> (i32, i32) {
    %c0_i32 = arith.constant 0 : i32
    %c0_i32_0 = arith.constant 0 : i32
    %c0_i32_1 = arith.constant 0 : i32
    return %c0_i32, %c0_i32_0 : i32, i32
  }
  func.func @transform_2(%arg0: i32) -> (i32, i32) {
    %c0_i32 = arith.constant 0 : i32
    %c0_i32_0 = arith.constant 0 : i32
    %c0_i32_1 = arith.constant 0 : i32
    return %c0_i32, %c0_i32_0 : i32, i32
  }
  func.func @transform_3(%arg0: i32) -> (i32, i32, i32) {
    %c0_i32 = arith.constant 0 : i32
    %c0_i32_0 = arith.constant 0 : i32
    %c0_i32_1 = arith.constant 0 : i32
    return %c0_i32, %arg0, %c0_i32_0 : i32, i32, i32
  }
}

module attributes {stable_mosaic.version = 14 : i64} {
  func.func @_tc_head_body(%arg0: i32, %arg1: memref<2000x128xf32, #tpu.memory_space<vmem>>, %arg2: memref<2000x128xf32, #tpu.memory_space<vmem>>, %arg3: memref<1x2000x1xf32, #tpu.memory_space<vmem>>, %arg4: memref<1x2000x1xf32, #tpu.memory_space<vmem>>, %arg5: memref<2000x128xf32, #tpu.memory_space<vmem>>, %arg6: memref<128x256xf32, #tpu.memory_space<vmem>>, %arg7: memref<1x256xf32, #tpu.memory_space<vmem>>, %arg8: memref<256x256xf32, #tpu.memory_space<vmem>>, %arg9: memref<1x256xf32, #tpu.memory_space<vmem>>, %arg10: memref<256x256xf32, #tpu.memory_space<vmem>>, %arg11: memref<256x128xf32, #tpu.memory_space<vmem>>, %arg12: memref<1x128xf32, #tpu.memory_space<vmem>>, %arg13: memref<1x128xf32, #tpu.memory_space<vmem>>, %arg14: memref<1x1xf32, #tpu.memory_space<vmem>>, %arg15: memref<1x2000x1xf32, #tpu.memory_space<vmem>>) attributes {dimension_semantics = [#tpu.dimension_semantics<arbitrary>], iteration_bounds = array<i64: 5>, scalar_prefetch = 0 : i64, scratch_operands = 0 : i64, tpu.core_type = #tpu.core_type<tc>, window_params = [{transform_indices = @transform_0, window_bounds = array<i64: 2000, 128>}, {transform_indices = @transform_1, window_bounds = array<i64: 2000, 128>}, {transform_indices = @transform_2, window_bounds = array<i64: 1, 2000, 1>}, {transform_indices = @transform_3, window_bounds = array<i64: 1, 2000, 1>}, {transform_indices = @transform_4, window_bounds = array<i64: 2000, 128>}, {pipeline_mode = #tpu.pipeline_mode<synchronous>, transform_indices = @transform_5, window_bounds = array<i64: 128, 256>}, {pipeline_mode = #tpu.pipeline_mode<synchronous>, transform_indices = @transform_6, window_bounds = array<i64: 1, 256>}, {pipeline_mode = #tpu.pipeline_mode<synchronous>, transform_indices = @transform_7, window_bounds = array<i64: 256, 256>}, {pipeline_mode = #tpu.pipeline_mode<synchronous>, transform_indices = @transform_8, window_bounds = array<i64: 1, 256>}, {pipeline_mode = #tpu.pipeline_mode<synchronous>, transform_indices = @transform_9, window_bounds = array<i64: 256, 256>}, {pipeline_mode = #tpu.pipeline_mode<synchronous>, transform_indices = @transform_10, window_bounds = array<i64: 256, 128>}, {pipeline_mode = #tpu.pipeline_mode<synchronous>, transform_indices = @transform_11, window_bounds = array<i64: 1, 128>}, {pipeline_mode = #tpu.pipeline_mode<synchronous>, transform_indices = @transform_12, window_bounds = array<i64: 1, 128>}, {pipeline_mode = #tpu.pipeline_mode<synchronous>, transform_indices = @transform_13, window_bounds = array<i64: 1, 1>}, {transform_indices = @transform_14, window_bounds = array<i64: 1, 2000, 1>}]} {
    %get3A = arith.constant 0 : index
    %get3A_0 = arith.constant 0 : index
    %get3A_1 = vector.load %arg5[%get3A, %get3A_0] : memref<2000x128xf32, #tpu.memory_space<vmem>>, vector<2000x128xf32>
    %get3A_2 = arith.constant 0 : index
    %get3A_3 = arith.constant 0 : index
    %get3A_4 = vector.load %arg6[%get3A_2, %get3A_3] : memref<128x256xf32, #tpu.memory_space<vmem>>, vector<128x256xf32>
    %dot_general3A = arith.constant dense<0.000000e+00> : vector<2000x256xf32>
    %dot_general3A_5 = tpu.matmul %get3A_1, %get3A_4, %dot_general3A {dimension_numbers = #tpu.dot_dimension_numbers<[1], [0], [0], [1], [0, 0, 1, 1], [], []>, transpose_lhs_hint = false} : vector<2000x128xf32>, vector<128x256xf32>, vector<2000x256xf32> -> vector<2000x256xf32>
    %get3A_6 = arith.constant 0 : index
    %get3A_7 = arith.constant 0 : index
    %get3A_8 = vector.load %arg7[%get3A_6, %get3A_7] : memref<1x256xf32, #tpu.memory_space<vmem>>, vector<1x256xf32>
    %add3A = vector.broadcast %get3A_8 : vector<1x256xf32> to vector<2000x256xf32>
    %add3A_9 = arith.addf %dot_general3A_5, %add3A : vector<2000x256xf32>
    %max3A = arith.constant 0.000000e+00 : f32
    %max3A_10 = vector.broadcast %max3A : f32 to vector<2000x256xf32>
    %max3A_11 = arith.maximumf %add3A_9, %max3A_10 : vector<2000x256xf32>
    %get3A_12 = arith.constant 0 : index
    %get3A_13 = arith.constant 0 : index
    %get3A_14 = arith.constant 0 : index
    %get3A_15 = vector.load %arg3[%get3A_12, %get3A_13, %get3A_14] : memref<1x2000x1xf32, #tpu.memory_space<vmem>>, vector<1x2000x1xf32>
    %get3A_16 = vector.shape_cast %get3A_15 : vector<1x2000x1xf32> to vector<2000x1xf32>
    %get3A_17 = arith.constant 0 : index
    %get3A_18 = arith.constant 0 : index
    %get3A_19 = arith.constant 0 : index
    %get3A_20 = vector.load %arg4[%get3A_17, %get3A_18, %get3A_19] : memref<1x2000x1xf32, #tpu.memory_space<vmem>>, vector<1x2000x1xf32>
    %get3A_21 = vector.shape_cast %get3A_20 : vector<1x2000x1xf32> to vector<2000x1xf32>
    %add3A_22 = arith.addf %get3A_16, %get3A_21 : vector<2000x1xf32>
    %max3A_23 = arith.constant 1.000000e+00 : f32
    %max3A_24 = vector.broadcast %max3A_23 : f32 to vector<2000x1xf32>
    %max3A_25 = arith.maximumf %add3A_22, %max3A_24 : vector<2000x1xf32>
    %div3A = arith.constant 1.000000e+00 : f32
    %div3A_26 = vector.broadcast %div3A : f32 to vector<2000x1xf32>
    %div3A_27 = arith.divf %div3A_26, %max3A_25 : vector<2000x1xf32>
    %get3A_28 = arith.constant 0 : index
    %get3A_29 = arith.constant 0 : index
    %get3A_30 = vector.load %arg1[%get3A_28, %get3A_29] : memref<2000x128xf32, #tpu.memory_space<vmem>>, vector<2000x128xf32>
    %mul3A = vector.broadcast %div3A_27 : vector<2000x1xf32> to vector<2000x128xf32>
    %mul3A_31 = arith.mulf %get3A_30, %mul3A : vector<2000x128xf32>
    %get3A_32 = arith.constant 0 : index
    %get3A_33 = arith.constant 0 : index
    %get3A_34 = vector.load %arg2[%get3A_32, %get3A_33] : memref<2000x128xf32, #tpu.memory_space<vmem>>, vector<2000x128xf32>
    %mul3A_35 = vector.broadcast %div3A_27 : vector<2000x1xf32> to vector<2000x128xf32>
    %mul3A_36 = arith.mulf %get3A_34, %mul3A_35 : vector<2000x128xf32>
    %get3A_37 = arith.constant 0 : index
    %get3A_38 = arith.constant 0 : index
    %get3A_39 = vector.load %arg8[%get3A_37, %get3A_38] : memref<256x256xf32, #tpu.memory_space<vmem>>, vector<256x256xf32>
    %slice3A = vector.extract_strided_slice %get3A_39 {offsets = [0, 0], sizes = [128, 256], strides = [1, 1]} : vector<256x256xf32> to vector<128x256xf32>
    %dot_general3A_40 = arith.constant dense<0.000000e+00> : vector<2000x256xf32>
    %dot_general3A_41 = tpu.matmul %mul3A_31, %slice3A, %dot_general3A_40 {dimension_numbers = #tpu.dot_dimension_numbers<[1], [0], [0], [1], [0, 0, 1, 1], [], []>, transpose_lhs_hint = false} : vector<2000x128xf32>, vector<128x256xf32>, vector<2000x256xf32> -> vector<2000x256xf32>
    %slice3A_42 = vector.extract_strided_slice %get3A_39 {offsets = [128, 0], sizes = [128, 256], strides = [1, 1]} : vector<256x256xf32> to vector<128x256xf32>
    %dot_general3A_43 = arith.constant dense<0.000000e+00> : vector<2000x256xf32>
    %dot_general3A_44 = tpu.matmul %mul3A_36, %slice3A_42, %dot_general3A_43 {dimension_numbers = #tpu.dot_dimension_numbers<[1], [0], [0], [1], [0, 0, 1, 1], [], []>, transpose_lhs_hint = false} : vector<2000x128xf32>, vector<128x256xf32>, vector<2000x256xf32> -> vector<2000x256xf32>
    %add3A_45 = arith.addf %dot_general3A_41, %dot_general3A_44 : vector<2000x256xf32>
    %get3A_46 = arith.constant 0 : index
    %get3A_47 = arith.constant 0 : index
    %get3A_48 = vector.load %arg10[%get3A_46, %get3A_47] : memref<256x256xf32, #tpu.memory_space<vmem>>, vector<256x256xf32>
    %dot_general3A_49 = arith.constant dense<0.000000e+00> : vector<2000x256xf32>
    %dot_general3A_50 = tpu.matmul %max3A_11, %get3A_48, %dot_general3A_49 {dimension_numbers = #tpu.dot_dimension_numbers<[1], [0], [0], [1], [0, 0, 1, 1], [], []>, transpose_lhs_hint = false} : vector<2000x256xf32>, vector<256x256xf32>, vector<2000x256xf32> -> vector<2000x256xf32>
    %add3A_51 = arith.addf %add3A_45, %dot_general3A_50 : vector<2000x256xf32>
    %get3A_52 = arith.constant 0 : index
    %get3A_53 = arith.constant 0 : index
    %get3A_54 = vector.load %arg9[%get3A_52, %get3A_53] : memref<1x256xf32, #tpu.memory_space<vmem>>, vector<1x256xf32>
    %add3A_55 = vector.broadcast %get3A_54 : vector<1x256xf32> to vector<2000x256xf32>
    %add3A_56 = arith.addf %add3A_51, %add3A_55 : vector<2000x256xf32>
    %max3A_57 = arith.constant 0.000000e+00 : f32
    %max3A_58 = vector.broadcast %max3A_57 : f32 to vector<2000x256xf32>
    %max3A_59 = arith.maximumf %add3A_56, %max3A_58 : vector<2000x256xf32>
    %get3A_60 = arith.constant 0 : index
    %get3A_61 = arith.constant 0 : index
    %get3A_62 = vector.load %arg11[%get3A_60, %get3A_61] : memref<256x128xf32, #tpu.memory_space<vmem>>, vector<256x128xf32>
    %dot_general3A_63 = arith.constant dense<0.000000e+00> : vector<2000x128xf32>
    %dot_general3A_64 = tpu.matmul %max3A_59, %get3A_62, %dot_general3A_63 {dimension_numbers = #tpu.dot_dimension_numbers<[1], [0], [0], [1], [0, 0, 1, 1], [], []>, transpose_lhs_hint = false} : vector<2000x256xf32>, vector<256x128xf32>, vector<2000x128xf32> -> vector<2000x128xf32>
    %get3A_65 = arith.constant 0 : index
    %get3A_66 = arith.constant 0 : index
    %get3A_67 = vector.load %arg12[%get3A_65, %get3A_66] : memref<1x128xf32, #tpu.memory_space<vmem>>, vector<1x128xf32>
    %add3A_68 = vector.broadcast %get3A_67 : vector<1x128xf32> to vector<2000x128xf32>
    %add3A_69 = arith.addf %dot_general3A_64, %add3A_68 : vector<2000x128xf32>
    %max3A_70 = arith.constant 0.000000e+00 : f32
    %max3A_71 = vector.broadcast %max3A_70 : f32 to vector<2000x128xf32>
    %max3A_72 = arith.maximumf %add3A_69, %max3A_71 : vector<2000x128xf32>
    %get3A_73 = arith.constant 0 : index
    %get3A_74 = arith.constant 0 : index
    %get3A_75 = vector.load %arg13[%get3A_73, %get3A_74] : memref<1x128xf32, #tpu.memory_space<vmem>>, vector<1x128xf32>
    %mul3A_76 = vector.broadcast %get3A_75 : vector<1x128xf32> to vector<2000x128xf32>
    %mul3A_77 = arith.mulf %max3A_72, %mul3A_76 : vector<2000x128xf32>
    %reduce_sum3A = arith.constant dense<0.000000e+00> : vector<2000xf32>
    %reduce_sum3A_78 = vector.multi_reduction <add>, %mul3A_77, %reduce_sum3A [1] : vector<2000x128xf32> to vector<2000xf32>
    %broadcast_in_dim3A = vector.shape_cast %reduce_sum3A_78 : vector<2000xf32> to vector<2000x1xf32>
    %get3A_79 = arith.constant 0 : index
    %get3A_80 = arith.constant 0 : index
    %get3A_81 = vector.load %arg14[%get3A_79, %get3A_80] : memref<1x1xf32, #tpu.memory_space<vmem>>, vector<1x1xf32>
    %add3A_82 = vector.broadcast %get3A_81 : vector<1x1xf32> to vector<2000x1xf32>
    %add3A_83 = arith.addf %broadcast_in_dim3A, %add3A_82 : vector<2000x1xf32>
    %swap3A = arith.constant 0 : index
    %swap3A_84 = arith.constant 0 : index
    %swap3A_85 = arith.constant 0 : index
    %swap3A_86 = vector.load %arg15[%swap3A, %swap3A_84, %swap3A_85] : memref<1x2000x1xf32, #tpu.memory_space<vmem>>, vector<1x2000x1xf32>
    %swap3A_87 = vector.shape_cast %swap3A_86 : vector<1x2000x1xf32> to vector<2000x1xf32>
    %swap3A_88 = vector.shape_cast %add3A_83 : vector<2000x1xf32> to vector<1x2000x1xf32>
    tpu.vector_store %arg15[%swap3A, %swap3A_84, %swap3A_85], %swap3A_88 {strides = array<i32>} : memref<1x2000x1xf32, #tpu.memory_space<vmem>>, vector<1x2000x1xf32>,
    return
  }
  func.func @transform_0(%arg0: i32) -> (i32, i32) {
    %c0_i32 = arith.constant 0 : i32
    %c0_i32_0 = arith.constant 0 : i32
    return %arg0, %c0_i32 : i32, i32
  }
  func.func @transform_1(%arg0: i32) -> (i32, i32) {
    %c0_i32 = arith.constant 0 : i32
    %c0_i32_0 = arith.constant 0 : i32
    return %arg0, %c0_i32 : i32, i32
  }
  func.func @transform_2(%arg0: i32) -> (i32, i32, i32) {
    %c0_i32 = arith.constant 0 : i32
    %c0_i32_0 = arith.constant 0 : i32
    %c0_i32_1 = arith.constant 0 : i32
    return %arg0, %c0_i32, %c0_i32_0 : i32, i32, i32
  }
  func.func @transform_3(%arg0: i32) -> (i32, i32, i32) {
    %c0_i32 = arith.constant 0 : i32
    %c0_i32_0 = arith.constant 0 : i32
    %c0_i32_1 = arith.constant 0 : i32
    return %arg0, %c0_i32, %c0_i32_0 : i32, i32, i32
  }
  func.func @transform_4(%arg0: i32) -> (i32, i32) {
    %c0_i32 = arith.constant 0 : i32
    %c0_i32_0 = arith.constant 0 : i32
    return %arg0, %c0_i32 : i32, i32
  }
  func.func @transform_5(%arg0: i32) -> (i32, i32) {
    %c0_i32 = arith.constant 0 : i32
    %c0_i32_0 = arith.constant 0 : i32
    %c0_i32_1 = arith.constant 0 : i32
    return %c0_i32, %c0_i32_0 : i32, i32
  }
  func.func @transform_6(%arg0: i32) -> (i32, i32) {
    %c0_i32 = arith.constant 0 : i32
    %c0_i32_0 = arith.constant 0 : i32
    %c0_i32_1 = arith.constant 0 : i32
    return %c0_i32, %c0_i32_0 : i32, i32
  }
  func.func @transform_7(%arg0: i32) -> (i32, i32) {
    %c0_i32 = arith.constant 0 : i32
    %c0_i32_0 = arith.constant 0 : i32
    %c0_i32_1 = arith.constant 0 : i32
    return %c0_i32, %c0_i32_0 : i32, i32
  }
  func.func @transform_8(%arg0: i32) -> (i32, i32) {
    %c0_i32 = arith.constant 0 : i32
    %c0_i32_0 = arith.constant 0 : i32
    %c0_i32_1 = arith.constant 0 : i32
    return %c0_i32, %c0_i32_0 : i32, i32
  }
  func.func @transform_9(%arg0: i32) -> (i32, i32) {
    %c0_i32 = arith.constant 0 : i32
    %c0_i32_0 = arith.constant 0 : i32
    %c0_i32_1 = arith.constant 0 : i32
    return %c0_i32, %c0_i32_0 : i32, i32
  }
  func.func @transform_10(%arg0: i32) -> (i32, i32) {
    %c0_i32 = arith.constant 0 : i32
    %c0_i32_0 = arith.constant 0 : i32
    %c0_i32_1 = arith.constant 0 : i32
    return %c0_i32, %c0_i32_0 : i32, i32
  }
  func.func @transform_11(%arg0: i32) -> (i32, i32) {
    %c0_i32 = arith.constant 0 : i32
    %c0_i32_0 = arith.constant 0 : i32
    %c0_i32_1 = arith.constant 0 : i32
    return %c0_i32, %c0_i32_0 : i32, i32
  }
  func.func @transform_12(%arg0: i32) -> (i32, i32) {
    %c0_i32 = arith.constant 0 : i32
    %c0_i32_0 = arith.constant 0 : i32
    %c0_i32_1 = arith.constant 0 : i32
    return %c0_i32, %c0_i32_0 : i32, i32
  }
  func.func @transform_13(%arg0: i32) -> (i32, i32) {
    %c0_i32 = arith.constant 0 : i32
    %c0_i32_0 = arith.constant 0 : i32
    %c0_i32_1 = arith.constant 0 : i32
    return %c0_i32, %c0_i32_0 : i32, i32
  }
  func.func @transform_14(%arg0: i32) -> (i32, i32, i32) {
    %c0_i32 = arith.constant 0 : i32
    %c0_i32_0 = arith.constant 0 : i32
    %c0_i32_1 = arith.constant 0 : i32
    return %arg0, %c0_i32, %c0_i32_0 : i32, i32, i32
  }
}

</mosaic_0001>

<sc_bundles>
// kernel: kernel.5.cloned.1.call-start
scs
__scs_entry_jumppad:
0x0: {  	(pc) =	sbr.rel $0x88, $3  }
0x1: {  	(tag) =	ssettag $0x0;
	lr =	simm.s32 $0x1  }
0x2: {  	[smem:$0x3F8B] =	sst lr;
	_ =	strace $0xD0000000  }
0x3: {  	_ = 	snop  }
0x4: {  	_ = 	snop  }
0x5: {  	_ = 	snop  }
0x6: {  	_ = 	snop  }
0x7: {  	_ = 	snop  }
__scs_overlays_trampoline_lowered:
0x8: {  	[smem:$0x3F9A] =	sst s0  }
0x9: {  	[smem:$0x3F9B] =	sst s1  }
0xa: {  	[smem:$0x3F9C] =	sst s2  }
0xb: {  	[smem:$0x3F9D] =	sst s3  }
0xc: {  	[smem:$0x3F9E] =	sst s4  }
0xd: {  	[smem:$0x3F9F] =	sst s5  }
0xe: {  	[smem:$0x3FA0] =	sst s6  }
0xf: {  	[smem:$0x3FA1] =	sst s7  }
0x10: {  	[smem:$0x3FA2] =	sst s8  }
0x11: {  	[smem:$0x3FA3] =	sst s9;
	s0 =	simm.s32 @!p0 $0x0  }
0x12: {  	s1 =	sld [smem:$0x3F89];
	s0 =	simm.s32 @p0 $0x1  }
0x13: {  	[smem:$0x3FA4] =	sst s0;
	s0 =	simm.s32 @!p1 $0x0  }
0x14: {  	s2 =	sld [smem:$0x3F88];
	s0 =	simm.s32 @p1 $0x1  }
0x15: {  	[smem:$0x3FA5] =	sst s0;
	s0 =	simm.s32 @!p2 $0x0  }
0x16: {  	s3 =	sld [smem:$0x3FDB];
	s0 =	simm.s32 @p2 $0x1  }
0x17: {  	s4 =	simm.s32 $0x1BF5;
	[smem:$0x3FA7] =	sst s0  }
0x18: {  	s0 =	sld [smem:$0x3F8A];
	_ =	swait.ge [sflag:s4], $0x0  }
0x19: {  	s7 =	sld [smem:$0x3F8B]  }
0x1a: {  	s8 =	sadd.s32 $0xFFFFE003, lr  }
0x1b: {  	s9 =	sadd.s32 $0xFFFFFEF7, lr;
	s5 =	simm.s32 $0xFFFFFFFF;
	p2 =	slt.u32 s8, $0xFFFFF086  }
0x1c: {  	p1 =	slt.u32 s9, $0xF7A;
	s5 =	simm.s32 @!p2 $0x0  }
0x1d: {  	s5 =	simm.s32 @p1 $0x1;
	p0 =	seq.s32 s7, s2  }
0x1e: {  	s7 =	smul.u32 @!p0 $0xF7A, s2;
	p2 =	seq.s32 @!p0 s5, $0x0  }
0x1f: {  	s9 =	smul.u32 $0xF7A, s1;
	s8 =	simm.s32 @!p0 $0x1BF5;
	p2 =	por !p2, p0  }
0x20: {  	[sflag:s8] =	ssyncset.s32 @!p0 $0xFFFFF086;
	s6 =	sadd.s32 @!p0 s3, s7;
	s7 =	simm.s32 @!p0 $0x108  }
0x21: {  	s3 =	sadd.s32 s3, s9;
	s6 =	sadd.s32 @!p0 $0x88, s6;
	s7 =	simm.s32 @p2 $0x1082  }
0x22: {  	[simem:s7], [sflag:s8] =	dma.local @!p0 [hbm:s6], $0xF7A  }
0x23: {  	s9 =	sor.u32 $0xD0000000, s2;
	s6 =	simm.s32 $0x108;
	_ =	swait.ge @!p0 [sflag:s8], $0x0  }
0x24: {  	s3 =	sadd.s32 $0x88, s3;
	s6 =	simm.s32 @!p1 $0x1082;
	[sflag:s4] =	ssyncset.s32 $0xFFFFF086  }
0x25: {  	[simem:s6], [sflag:s4] =	dma.local [hbm:s3], $0xF7A  }
0x26: {  	[smem:$0x3F8B] =	sst s1;
	(tag) =	ssettag s2;
	_ =	strace s9  }
0x27: {  	s1 =	sld [smem:$0x3F9B]  }
0x28: {  	s2 =	sld [smem:$0x3F9C]  }
0x29: {  	s4 =	sld [smem:$0x3F9E]  }
0x2a: {  	p0 =	seq.s32 s5, $0x0;
	s5 =	sld [smem:$0x3F9F]  }
0x2b: {  	s6 =	sld [smem:$0x3FA0]  }
0x2c: {  	s7 =	sld [smem:$0x3FA1]  }
0x2d: {  	s3 =	simm.s32 $0x108;
	s8 =	sld [smem:$0x3FA2]  }
0x2e: {  	s3 =	simm.s32 @!p0 $0x1082;
	s9 =	sld [smem:$0x3FA3]  }
0x2f: {  	lr =	sadd.s32 s0, s3;
	s0 =	sld [smem:$0x3F9A]  }
0x30: {  	s3 =	sld [smem:$0x3F9D]  }
0x31: {  	[smem:$0x3FA6] =	sst s10  }
0x32: {  	s10 =	sld [smem:$0x3FA4];
	_ =	sdelay $0x3  }
0x33: {  	p0 =	seq.s32 s10, $0x1;
	s10 =	sld [smem:$0x3FA6];
	_ =	sdelay $0x3  }
0x34: {  	[smem:$0x3FA6] =	sst s10  }
0x35: {  	s10 =	sld [smem:$0x3FA5];
	_ =	sdelay $0x3  }
0x36: {  	p1 =	seq.s32 s10, $0x1;
	s10 =	sld [smem:$0x3FA6];
	_ =	sdelay $0x3  }
0x37: {  	[smem:$0x3FA6] =	sst s10  }
0x38: {  	s10 =	sld [smem:$0x3FA7]  }
0x39: {  	_ = 	snop;
	(pc) =	sbr.ind lr, $3  }
0x3a: {  	_ = 	snop  }
0x3b: {  	_ = 	snop  }
0x3c: {  	p2 =	seq.s32 s10, $0x1;
	s10 =	sld [smem:$0x3FA6]  }
0x3d: {  	_ =	shalt  }
0x3e: {  	_ =	shalt  }
0x3f: {  	_ =	shalt  }
0x40: {  	_ =	shalt  }
0x41: {  	_ =	shalt  }
0x42: {  	_ =	shalt  }
0x43: {  	_ =	shalt  }
0x44: {  	_ =	shalt  }
0x45: {  	_ =	shalt  }
0x46: {  	_ =	shalt  }
0x47: {  	_ =	shalt  }
0x48: {  	_ =	shalt  }
0x49: {  	_ =	shalt  }
0x4a: {  	_ =	shalt  }
0x4b: {  	_ =	shalt  }
0x4c: {  	_ =	shalt  }
0x4d: {  	_ =	shalt  }
0x4e: {  	_ =	shalt  }
0x4f: {  	_ =	shalt  }
0x50: {  	_ =	shalt  }
0x51: {  	_ =	shalt  }
0x52: {  	_ =	shalt  }
0x53: {  	_ =	shalt  }
0x54: {  	_ =	shalt  }
0x55: {  	_ =	shalt  }
0x56: {  	_ =	shalt  }
0x57: {  	_ =	shalt  }
0x58: {  	_ =	shalt  }
0x59: {  	_ =	shalt  }
0x5a: {  	_ =	shalt  }
0x5b: {  	_ =	shalt  }
0x5c: {  	_ =	shalt  }
0x5d: {  	_ =	shalt  }
0x5e: {  	_ =	shalt  }
0x5f: {  	_ =	shalt  }
0x60: {  	_ =	shalt  }
0x61: {  	_ =	shalt  }
0x62: {  	_ =	shalt  }
0x63: {  	_ =	shalt  }
0x64: {  	_ =	shalt  }
0x65: {  	_ =	shalt  }
0x66: {  	_ =	shalt  }
0x67: {  	_ =	shalt  }
0x68: {  	_ =	shalt  }
0x69: {  	_ =	shalt  }
0x6a: {  	_ =	shalt  }
0x6b: {  	_ =	shalt  }
0x6c: {  	_ =	shalt  }
0x6d: {  	_ =	shalt  }
0x6e: {  	_ =	shalt  }
0x6f: {  	_ =	shalt  }
0x70: {  	_ =	shalt  }
0x71: {  	_ =	shalt  }
0x72: {  	_ =	shalt  }
0x73: {  	_ =	shalt  }
0x74: {  	_ =	shalt  }
0x75: {  	_ =	shalt  }
0x76: {  	_ =	shalt  }
0x77: {  	_ =	shalt  }
0x78: {  	_ =	shalt  }
0x79: {  	_ =	shalt  }
0x7a: {  	_ =	shalt  }
0x7b: {  	_ =	shalt  }
0x7c: {  	_ =	shalt  }
0x7d: {  	_ =	shalt  }
0x7e: {  	_ =	shalt  }
0x7f: {  	_ =	shalt  }
0x80: {  	_ =	shalt  }
0x81: {  	_ =	shalt  }
0x82: {  	_ =	shalt  }
0x83: {  	_ =	shalt  }
0x84: {  	_ =	shalt  }
0x85: {  	_ =	shalt  }
0x86: {  	_ =	shalt  }
0x87: {  	_ =	shalt  }
.Lfunc_end0:
.L_simem_size_0:
called_computation_lowered:
.L_overlay_start_0:
0x88: {  	s2 =	sld [smem:$0x3FD9]  }
0x89: {  	s3 =	sld [smem:$0x3FFE];
	_ =	sdelay $0x1  }
0x8a: {  	s1 =	srdreg.scid  }
0x8b: {  	s0 =	sand.u32 $0x1, s1  }
0x8c: {  	s17 =	sshll.u32 s0, $0xA;
	s2 =	sadd.s32 s3, s2  }
0x8d: {  	s2 =	sadd.s32 s2, s17  }
0x8e: {  	[smem:$0x3FB2] =	sst s2  }
0x8f: {  	_ = 	snop  }
0x90: {  	s2 =	sld [smem:$0x3FC9]  }
0x91: {  	s18 =	sld [smem:$0x3FC8]  }
0x92: {  	s4 =	sld [smem:$0x3FC7]  }
0x93: {  	s5 =	sld [smem:$0x3FC6]  }
0x94: {  	s6 =	sld [smem:$0x3FC5]  }
0x95: {  	s7 =	sld [smem:$0x3FC4]  }
0x96: {  	s8 =	sld [smem:$0x3FC3]  }
0x97: {  	s9 =	sld [smem:$0x3FC2]  }
0x98: {  	s10 =	sld [smem:$0x3FD0];
	(tm) =	ssettm $0x1  }
0x99: {  	s11 =	sld [smem:$0x3FFB];
	_ =	sdelay $0x3  }
0x9a: {  	_ =	strace s11  }
0x9b: {  	s11 =	sld [smem:$0x3FFC];
	_ =	sdelay $0x3  }
0x9c: {  	_ =	strace s11  }
0x9d: {  	s11 =	sld [smem:$0x3FFD];
	_ =	sdelay $0x3  }
0x9e: {  	_ =	strace s11  }
0x9f: {  	_ =	strace $0x8FFFFFFF  }
0xa0: {  	s19 =	sld [smem:$0x3FDB];
	_ =	sdelay $0x1  }
0xa1: {  	s12 =	simm.s32 $_scs_section_size  }
0xa2: {  	s13 =	simm.s32 $_size__tile_overlayer_lowered;
	s14 =	simm.s32 $_tile_overlayer_lowered  }
0xa3: {  	s22 =	simm.s32 $0x1BFF;
	s21 =	sshll.u32 s14, $0x1;
	s11 =	sadd.s32 s12, s19  }
0xa4: {  	s15 =	simm.s32 $0x0;
	s20 =	sshll.u32 s13, $0x1;
	s13 =	sadd.s32 s21, s11  }
0xa5: {  	[timem:s15], [sflag:s22] =	dma.local [hbm:s13], s20  }
0xa6: {  	_ =	swait.ge [sflag:s22], s20  }
0xa7: {  	s12 =	ssub.s32 $0x0, s20;
	[sflag:s22] =	ssyncset.done $0x0  }
0xa8: {  	[sflag:s22] =	ssyncadd.s32 s12;
	_ =	sdelay $0x1  }
0xa9: {  	s23 =	simm.s32 $0x1B8B  }
0xaa: {  	_ =	swait.ge [sflag:s23], $0x1  }
0xab: {  	[sflag:s23] =	ssyncset.done $0x0  }
0xac: {  	s25 =	simm.s32 $0x1B8E;
	s24 =	sld [smem:$0x3FFE];
	[sflag:s23] =	ssyncadd.s32 $0xFFFFFFFF  }
0xad: {  	s26 =	simm.s32 $execute0_lowered;
	[smem:$0x3FD2] =	sst s25  }
0xae: {  	s13 =	sshll.u32 s26, $0x1;
	_ =	strace $0x80000046;
	[dreg:$0x1] =	wrdreg $0xFFFFFFFF  }
0xaf: {  	s28 =	simm.s32 $_size_execute0_lowered;
	s11 =	sadd.s32 s11, s13;
	[dreg:$0x0] =	wrdreg $0x0  }
0xb0: {  	s13 =	sshll.u32 s28, $0x1;
	[dreg:$0x2] =	wrdreg s11  }
0xb1: {  	[dreg:$0x3] =	wrdreg s13  }
0xb2: {  	[dreg:$0x4] =	wrdreg $0xC0  }
0xb3: {  	_ =	task [dreg:s15], $0x5FFFF  }
0xb4: {  	[dreg:$0x1] =	wrdreg $0xFFFFFFFF  }
0xb5: {  	[dreg:$0x0] =	wrdreg $0x60  }
0xb6: {  	[dreg:$0x2] =	wrdreg s24  }
0xb7: {  	[dreg:$0x3] =	wrdreg s2  }
0xb8: {  	[dreg:$0x4] =	wrdreg s18  }
0xb9: {  	[dreg:$0x5] =	wrdreg s4  }
0xba: {  	[dreg:$0x6] =	wrdreg s5  }
0xbb: {  	[dreg:$0x7] =	wrdreg s6  }
0xbc: {  	[dreg:$0x8] =	wrdreg s7  }
0xbd: {  	[dreg:$0x9] =	wrdreg s8  }
0xbe: {  	[dreg:$0xa] =	wrdreg s9  }
0xbf: {  	[dreg:$0xb] =	wrdreg s10  }
0xc0: {  	[dreg:$0xc] =	wrdreg $0xB0800  }
0xc1: {  	[dreg:$0xd] =	wrdreg $0x1E9400  }
0xc2: {  	[dreg:$0xe] =	wrdreg $0x9  }
0xc3: {  	_ =	task.clear_ibuf [dreg:s15], $0xFFFFF;
	_ =	strace $0x90000046  }
0xc4: {  	s29 =	simm.s32 $0x9;
	_ =	strace $0x80000048  }
0xc5: {  	_ =	swait.ge [sflag:s29], $0x1  }
0xc6: {  	[sflag:s29] =	ssyncadd.s32 $0xFFFFFFFF  }
0xc7: {  	_ =	strace $0x90000048  }
0xc8: {  	_ =	sfence  }
0xc9: {  	s30 =	sld [smem:$0x0];
	_ =	sdelay $0x2  }
0xca: {  	s31 =	sshll.u32 s1, $0xD;
	s1 =	sshrl.u32 s1, $0x2  }
0xcb: {  	s3 =	sand.u32 $0x4000, s31;
	s1 =	sadd.s32 s1, s30  }
0xcc: {  	s0 =	sor.u32 s3, s0;
	s1 =	sshll.u32 s1, $0x11  }
0xcd: {  	s0 =	sor.u32 s1, s0  }
0xce: {  	s0 =	sadd.s32 $0x8F2B, s0  }
0xcf: {  	[sflag:s0] =	ssyncadd.remote.s32 $0x1  }
0xd0: {  	_ =	sfence.sel $0xFFFF  }
0xd1: {  	[dreg:$0x0] =	wrdreg $0xFFFFFFFF;
	(pc) =	sbr.abs _section_cstart, $3  }
0xd2: {  	[dreg:$0x1] =	wrdreg $0xFFFFFFFF  }
0xd3: {  	_ =	task.clear_ibuf [dreg:s15], $0x2FFFF;
	_ =	strace $0x9FFFFFFF  }
0xd4: {  	(tm) =	ssettm $0x7FFFFFFF  }
0xd5: {  	_ =	shalt  }
tec
execute0_lowered:
.L_overlay_start_1:
0x0: {  	(tag) =	ssettag $0x1  }
0x1: {  	s0 =	rddreg [dreg:$0x0]  }
0x2: {  	s10 =	rddreg [dreg:$0xa]  }
0x3: {  	s11 =	rddreg [dreg:$0xb];
	s13 =	simm.s32 $0x0  }
0x4: {  	s8 =	stileid.u32;
	s2 =	srdreg.scid;
	s28 =	simm.s32 $0x8380  }
0x5: {  	s29 =	simm.s32 $0x8780;
	[smem:$0x7FF] =	sst s13;
	s1 =	smul.u32 $0x2700, s8  }
0x6: {  	s14 =	sadd.s32 $0x1FA00, s0;
	s3 =	sshll.u32 s8, $0x7;
	s4 =	smul.u32 $0x4E000, s8  }
0x7: {  	s2 =	sand.u32 $0x1, s2;
	s6 =	smul.u32 $0x1F40, s8;
	s7 =	sadd.s32 $0x6DC00, s0  }
0x8: {  	s31 =	sadd.s32 $0xBC400, s0;
	p1 =	sne.s32 s8, $0xF;
	_ =	strace $0x80000047  }
0x9: {  	s3 =	sadd.s32 s3, s0;
	s5 =	ssub.s32 $0x2, s2;
	[dreg:$0xd] =	wrdreg s7  }
0xa: {  	[dreg:$0x11] =	wrdreg s31;
	s31 =	sadd.s32 $0x2710, s11;
	s1 =	sadd.s32 s1, s0  }
0xb: {  	s6 =	sshrl.u32 s6, $0x2;
	s0 =	sadd.s32 $0x95200, s0;
	[dreg:$0x1e] =	wrdreg s31  }
0xc: {  	p6 =	sgt.u32 @p1 s8, $0x4;
	s6 =	sadd.s32 s6, s11;
	[dreg:$0x13] =	wrdreg s0  }
0xd: {  	s26 =	sshrl.u32 s5, $0x1;
	s30 =	sadd.s32 $0x95400, s1;
	[dreg:$0xf] =	wrdreg s6  }
0xe: {  	s4 =	sshrl.u32 s4, $0x2;
	s1 =	sadd.s32 $0x6E200, s1;
	[dreg:$0x10] =	wrdreg s30  }
0xf: {  	s5 =	ssub.s32 s5, s26;
	s4 =	sadd.s32 s4, s10;
	[dreg:$0x12] =	wrdreg s1  }
0x10: {  	s0 =	simm.s32 @!p6 $0x0;
	s6 =	smax.u32 s5, $0x1;
	[dreg:$0xe] =	wrdreg s4  }
0x11: {  	p0 =	seq.s32 s2, $0x1;
	s0 =	simm.s32 @p6 $0x1;
	[dreg:$0x14] =	wrdreg s6  }
0x12: {  	p2 =	sne.s32 s2, $0x0;
	s16 =	sadd.s32 $0x2000, s4;
	[smem:$0x7F8] =	sst s0  }
0x13: {  	p3 =	seq.s32 s2, $0x0;
	s17 =	sadd.s32 $0x4000, s4;
	[dreg:$0x15] =	wrdreg s16  }
0x14: {  	p4 =	por !p6, !p1;
	s18 =	sadd.s32 $0x6000, s4;
	[dreg:$0x16] =	wrdreg s17  }
0x15: {  	p5 =	seq.s32 @p0 s8, $0x0;
	s19 =	sadd.s32 $0x8000, s4;
	[dreg:$0x17] =	wrdreg s18  }
0x16: {  	p4 =	sne.s32 @!p4 s8, $0x5;
	s20 =	sadd.s32 $0xA000, s4;
	[dreg:$0x18] =	wrdreg s19  }
0x17: {  	p6 =	por @p1 p4, !p6;
	s21 =	sadd.s32 $0xC000, s4;
	[dreg:$0x19] =	wrdreg s20  }
0x18: {  	p4 =	por p5, !p0;
	s22 =	sadd.s32 $0xE000, s4;
	[dreg:$0x1a] =	wrdreg s21  }
0x19: {  	s26 =	sadd.s32 $0x10000, s4;
	s0 =	simm.s32 @!p4 $0x0;
	[dreg:$0x1b] =	wrdreg s22  }
0x1a: {  	s2 =	simm.s32 $0x0;
	[dreg:$0x1c] =	wrdreg s26;
	s0 =	simm.s32 @p4 $0x1  }
0x1b: {  	s23 =	sadd.s32 $0x15C00, s3;
	s24 =	sadd.s32 $0xBE00, s3;
	[smem:$0x7F6] =	sst s0  }
0x1c: {  	s25 =	sadd.s32 $0x2000, s3;
	s30 =	sadd.s32 $0x12000, s4;
	s7 =	sld [smem:$0x7F6]  }
0x1d: {  	s5 =	sadd.s32 $0x138000, s10;
	p6 =	por p6, !p1;
	[dreg:$0x1d] =	wrdreg s30  }
0x1e: {  	s6 =	simm.s32 $0x5;
	s17 =	simm.s32 $0x1;
	s0 =	simm.s32 @!p6 $0x0  }
0x1f: {  	s18 =	simm.s32 $0x3;
	s0 =	simm.s32 @p6 $0x1;
	p6 =	seq.s32 s7, $0x1  }
0x20: {  	s19 =	simm.s32 $0x8180;
	s20 =	simm.s32 $0x4000;
	p6 =	sne.s32 @!p6 s8, $0xF  }
0x21: {  	p4 =	seq.s32 @!p0 s8, $0x0;
	[smem:$0x7F5] =	sst s0;
	s0 =	simm.s32 @!p6 $0x0  }
0x22: {  	s9 =	sld [smem:$0x7F8];
	s0 =	simm.s32 @p6 $0x1;
	p6 =	por p4, p0  }
0x23: {  	s21 =	simm.s32 $0x8580;
	[smem:$0x7FA] =	sst s0;
	s0 =	simm.s32 @!p6 $0x0  }
0x24: {  	s22 =	simm.s32 $0x8280;
	s0 =	simm.s32 @p6 $0x1;
	s12 =	sld [smem:$0x7FA]  }
0x25: {  	p6 =	seq.s32 s9, $0x1;
	[smem:$0x7FB] =	sst s0;
	s0 =	simm.s32 @!p1 $0x0  }
0x26: {  	[dreg:$0x1f] =	wrdreg s5;
	s0 =	simm.s32 @p1 $0x1;
	p1 =	por p6, !p1  }
0x27: {  	s26 =	simm.s32 $0x8680;
	[smem:$0x7F7] =	sst s0;
	s0 =	simm.s32 @!p1 $0x0  }
0x28: {  	s15 =	sld [smem:$0x7FB];
	s0 =	simm.s32 @p1 $0x1;
	p1 =	seq.s32 s12, $0x1  }
0x29: {  	s9 =	simm.s32 $0x80;
	p1 =	por @p0 p1, p5;
	p5 =	por !p5, !p0  }
.Ltmp0:
0x2a: {  	[smem:$0x7F9] =	sst s0;
	s0 =	simm.s32 @!p5 $0x0;
	(pc) =	sbr.rel .LBB2_1-.Ltmp0, $4  }
0x2b: {  	p6 =	seq.s32 s15, $0x1;
	p1 =	por p1, !p0;
	s0 =	simm.s32 @p5 $0x1  }
0x2c: {  	p6 =	sne.s32 @!p6 s8, $0xF;
	[smem:$0x7FC] =	sst s0;
	s0 =	simm.s32 @!p1 $0x0  }
0x2d: {  	s8 =	simm.s32 $0x8400;
	p5 =	por @!p0 p6, p4;
	s0 =	simm.s32 @p1 $0x1  }
0x2e: {  	v0 =	vimm.f32 $1.000000000e+00;
	v1 =	vimm.f32 $0.0e+00;
	p4 =	por !p4, p0;
	p5 =	por p5, p0;
	[smem:$0x7FD] =	sst s0  }
.LBB2_9:
0x2f: {  	s2 =	stileid.u32;
	[bflag:$0x0] =	sbarrier.arrive $0xFFFF  }
0x30: {  	s0 =	sshll.u32 @p0 s2, $0x6;
	s4 =	rddreg [dreg:$0xe]  }
0x31: {  	s3 =	rddreg [dreg:$0x12];
	s0 =	sor.u32 @p0 $0x1C05, s0;
	s1 =	sshrl.u32 @p0 s4, $0x3  }
0x32: {  	[hbm:s3], [sflag:s0] =	dma.local @p0 [spmem:s1], $0x2700  }
0x33: {  	s1 =	simm.s32 @p0 $0x5  }
0x34: {  	_ =	swait.ge @p0 [sflag:s1], $0x2700  }
0x35: {  	s15 =	sld [smem:$0x7FC];
	_ =	sdelay $0x2  }
0x36: {  	[sflag:s1] =	ssyncset.done @p0 $0x0;
	p1 =	seq.s32 s15, $0x1  }
0x37: {  	s3 =	rddreg [dreg:$0xd];
	[sflag:s1] =	ssyncadd.s32 @p0 $0xFFFFD900;
	s1 =	sshrl.u32 @!p1 s11, $0x3  }
0x38: {  	[hbm:s3], [sflag:s0] =	dma.local @!p1 [spmem:s1], $0x4F0  }
0x39: {  	s1 =	simm.s32 @!p1 $0x5  }
0x3a: {  	_ =	swait.ge @!p1 [sflag:s1], $0x4F0  }
0x3b: {  	s16 =	sld [smem:$0x7FD];
	_ =	sdelay $0x1  }
0x3c: {  	[sflag:s1] =	ssyncset.done @!p1 $0x0  }
0x3d: {  	s5 =	rddreg [dreg:$0x1f];
	[sflag:s1] =	ssyncadd.s32 @!p1 $0xFFFFFB10;
	p1 =	seq.s32 s16, $0x1  }
0x3e: {  	s3 =	rddreg [dreg:$0x13];
	s1 =	sshrl.u32 @!p1 s5, $0x3  }
0x3f: {  	[hbm:s3], [sflag:s0] =	dma.local @!p1 [spmem:s1], $0x100  }
0x40: {  	s0 =	simm.s32 @!p1 $0x5  }
0x41: {  	_ =	swait.ge @!p1 [sflag:s0], $0x100  }
0x42: {  	s1 =	sshll.u32 @!p0 s2, $0x6;
	[sflag:s0] =	ssyncset.done @!p1 $0x0;
	s2 =	rddreg [dreg:$0x10]  }
0x43: {  	[sflag:s0] =	ssyncadd.s32 @!p1 $0xFFFFFF00;
	s0 =	sor.u32 @!p0 $0x1C05, s1;
	s1 =	sshrl.u32 @!p0 s4, $0x3  }
0x44: {  	[hbm:s2], [sflag:s0] =	dma.local @!p0 [spmem:s1], $0x2700  }
0x45: {  	s1 =	simm.s32 @!p0 $0x5  }
0x46: {  	_ =	swait.ge @!p0 [sflag:s1], $0x2700  }
0x47: {  	[sflag:s1] =	ssyncset.done @!p0 $0x0  }
0x48: {  	[sflag:s1] =	ssyncadd.s32 @!p0 $0xFFFFD900  }
0x49: {  	s1 =	sshrl.u32 @!p4 s11, $0x3;
	s2 =	rddreg [dreg:$0x9]  }
0x4a: {  	[hbm:s2], [sflag:s0] =	dma.local @!p4 [spmem:s1], $0x4F0  }
0x4b: {  	s1 =	simm.s32 @!p4 $0x5  }
0x4c: {  	_ =	swait.ge @!p4 [sflag:s1], $0x4F0  }
0x4d: {  	[sflag:s1] =	ssyncset.done @!p4 $0x0  }
0x4e: {  	s2 =	rddreg [dreg:$0x11];
	[sflag:s1] =	ssyncadd.s32 @!p4 $0xFFFFFB10;
	s1 =	sshrl.u32 @!p5 s5, $0x3  }
0x4f: {  	[hbm:s2], [sflag:s0] =	dma.local @!p5 [spmem:s1], $0x100  }
0x50: {  	s0 =	simm.s32 @!p5 $0x5  }
0x51: {  	_ =	swait.ge @!p5 [sflag:s0], $0x100  }
0x52: {  	s30 =	sld [smem:$0x7F4];
	_ =	sdelay $0x2  }
0x53: {  	s31 =	rddreg [dreg:$0x14];
	s2 =	sadd.s32 $0x1, s30  }
0x54: {  	p1 =	sne.s32 s2, s31  }
.Ltmp1:
0x55: {  	_ = 	snop;
	(pc) =	sbr.rel @!p1 .LBB2_10-.Ltmp1, $3  }
0x56: {  	_ =	sdelay $0x1  }
0x57: {  	[sflag:s0] =	ssyncset.done @!p5 $0x0  }
0x58: {  	s3 =	stileid.u32;
	[sflag:s0] =	ssyncadd.s32 @!p5 $0xFFFFFF00  }
.LBB2_1:
0x59: {  	s0 =	rddreg [dreg:$0x1];
	s1 =	simm.s32 $0x1EBB8  }
0x5a: {  	[tilespmem:s1], [sflag:$0x5] =	stream.linear.gather [hbm4b:s0+s13], $0x1, $0x38;
	[tilespmem:$0x1EFB8] =	vst v63  }
0x5b: {  	s7 =	rddreg [dreg:$0x2];
	s12 =	simm.s32 $0x1EC38  }
0x5c: {  	[tilespmem:s12], [sflag:$0x5] =	stream.linear.gather [hbm4b:s7+s13], $0x1, $0x38;
	[tilespmem:$0x1EFB8] =	vst v63  }
0x5d: {  	s15 =	rddreg [dreg:$0x3];
	s16 =	simm.s32 $0x1ECB8  }
0x5e: {  	[tilespmem:s16], [sflag:$0x5] =	stream.linear.gather [hbm4b:s15+s13], $0x1, $0x38;
	[tilespmem:$0x1EFB8] =	vst v63  }
0x5f: {  	s30 =	rddreg [dreg:$0x4];
	s31 =	simm.s32 $0x1ED38  }
0x60: {  	[tilespmem:s31], [sflag:$0x5] =	stream.linear.gather [hbm4b:s30+s13], $0x1, $0x38;
	[tilespmem:$0x1EFB8] =	vst v63  }
0x61: {  	s3 =	simm.s32 $0x1EDB8;
	s1 =	rddreg [dreg:$0x5]  }
0x62: {  	[tilespmem:s3], [sflag:$0x5] =	stream.linear.gather [hbm4b:s1+s13], $0x1, $0x38;
	[tilespmem:$0x1EFB8] =	vst v63  }
0x63: {  	s7 =	rddreg [dreg:$0x6];
	s12 =	simm.s32 $0x1EE38  }
0x64: {  	[tilespmem:s12], [sflag:$0x5] =	stream.linear.gather [hbm4b:s7+s13], $0x1, $0x38;
	[tilespmem:$0x1EFB8] =	vst v63  }
0x65: {  	s15 =	rddreg [dreg:$0x7];
	s16 =	simm.s32 $0x1EEB8  }
0x66: {  	[tilespmem:s16], [sflag:$0x5] =	stream.linear.gather [hbm4b:s15+s13], $0x1, $0x38;
	[tilespmem:$0x1EFB8] =	vst v63  }
0x67: {  	s30 =	rddreg [dreg:$0x8];
	s31 =	simm.s32 $0x1EF38  }
0x68: {  	[tilespmem:s31], [sflag:$0x5] =	stream.linear.gather [hbm4b:s30+s13], $0x1, $0x38;
	[tilespmem:$0x1EFB8] =	vst v63  }
0x69: {  	_ =	swait.ge [sflag:s6], $0x1  }
0x6a: {  	[sflag:s6] =	ssyncset.done $0x0  }
0x6b: {  	[sflag:s6] =	ssyncadd.s32 $0xFFFFFFFF  }
0x6c: {  	_ =	swait.ge [sflag:s6], $0x1  }
0x6d: {  	[sflag:s6] =	ssyncset.done $0x0  }
0x6e: {  	[sflag:s6] =	ssyncadd.s32 $0xFFFFFFFF  }
0x6f: {  	_ =	swait.ge [sflag:s6], $0x1  }
0x70: {  	[sflag:s6] =	ssyncset.done $0x0  }
0x71: {  	[sflag:s6] =	ssyncadd.s32 $0xFFFFFFFF  }
0x72: {  	_ =	swait.ge [sflag:s6], $0x1  }
0x73: {  	[sflag:s6] =	ssyncset.done $0x0  }
0x74: {  	[sflag:s6] =	ssyncadd.s32 $0xFFFFFFFF  }
0x75: {  	_ =	swait.ge [sflag:s6], $0x1  }
0x76: {  	[sflag:s6] =	ssyncset.done $0x0  }
0x77: {  	[sflag:s6] =	ssyncadd.s32 $0xFFFFFFFF  }
0x78: {  	_ =	swait.ge [sflag:s6], $0x1  }
0x79: {  	[sflag:s6] =	ssyncset.done $0x0  }
0x7a: {  	[sflag:s6] =	ssyncadd.s32 $0xFFFFFFFF  }
0x7b: {  	_ =	swait.ge [sflag:s6], $0x1  }
0x7c: {  	[sflag:s6] =	ssyncset.done $0x0  }
0x7d: {  	[sflag:s6] =	ssyncadd.s32 $0xFFFFFFFF  }
0x7e: {  	_ =	swait.ge [sflag:s6], $0x1  }
0x7f: {  	[sflag:s6] =	ssyncset.done $0x0  }
0x80: {  	[sflag:s6] =	ssyncadd.s32 $0xFFFFFFFF  }
0x81: {  	[tilespmem:$0xB000] =	vst v0  }
0x82: {  	[tilespmem:$0xB010] =	vst v0  }
0x83: {  	[tilespmem:$0xB020] =	vst v0  }
0x84: {  	[tilespmem:$0xB030] =	vst v0  }
0x85: {  	[tilespmem:$0xB040] =	vst v0  }
0x86: {  	[tilespmem:$0xB050] =	vst v0  }
0x87: {  	[tilespmem:$0xB060] =	vst v0  }
0x88: {  	s0 =	simm.s32 $0x0;
	s1 =	simm.s32 $0x200;
	[tilespmem:$0xB070] =	vst v0  }
.LBB2_2:
0x89: {  	p6 =	sne.s32 s1, $0x7E00;
	[tilespmem:s0+$0x8870] =	vst v1  }
0x8a: {  	[tilespmem:s0+$0x8800] =	vst v1  }
0x8b: {  	[tilespmem:s0+$0x8810] =	vst v1  }
.Ltmp2:
0x8c: {  	[tilespmem:s0+$0x8820] =	vst v1;
	(pc) =	sbr.rel @p6 .LBB2_2-.Ltmp2, $4  }
0x8d: {  	[tilespmem:s0+$0x8830] =	vst v1  }
0x8e: {  	[tilespmem:s0+$0x8840] =	vst v1  }
0x8f: {  	[tilespmem:s0+$0x8850] =	vst v1  }
0x90: {  	[tilespmem:s0+$0x8860] =	vst v1;
	s0 =	sshra.s32 s1, $0x2;
	s1 =	sadd.s32 $0x200, s1  }
0x91: {  	[tilespmem:s0+$0x8870] =	vst v1  }
0x92: {  	[tilespmem:s0+$0x8800] =	vst v1  }
0x93: {  	[tilespmem:s0+$0x8810] =	vst v1  }
0x94: {  	[tilespmem:s0+$0x8820] =	vst v1  }
0x95: {  	[tilespmem:s0+$0x8830] =	vst v1  }
0x96: {  	[tilespmem:s0+$0x8840] =	vst v1  }
0x97: {  	[tilespmem:s0+$0x8850] =	vst v1  }
0x98: {  	[tilespmem:s0+$0x8860] =	vst v1;
	s0 =	simm.s32 $0x40;
	s1 =	simm.s32 $0x0  }
.LBB2_4:
0x99: {  	p6 =	sne.s32 s0, $0x1F00;
	[tilespmem:s1+$0xA800] =	vst v1;
	s1 =	smov.u32 s0;
	s0 =	sadd.s32 $0x40, s0  }
.Ltmp3:
0x9a: {  	(pc) =	sbr.rel @p6 .LBB2_4-.Ltmp3, $2  }
0x9b: {  	_ =	sdelay $0x2  }
0x9c: {  	s1 =	sshra.s32 s1, $0x2  }
0x9d: {  	[smem:$0x7F4] =	sst s2;
	[tilespmem:s1+$0xA800] =	vst v1;
	s1 =	simm.s32 $0x8800  }
0x9e: {  	[spmem:s4] =	stream.linear.scatter [tilespmem:s1], [sflag:$0x5], $0x2000, $0x38;
	[tilespmem:$0x1EFB8] =	vst v63  }
0x9f: {  	_ =	swait.ge [sflag:s6], $0x2000  }
0xa0: {  	[sflag:s6] =	ssyncset.done $0x0  }
0xa1: {  	s0 =	rddreg [dreg:$0x15];
	[sflag:s6] =	ssyncadd.s32 $0xFFFFE000  }
0xa2: {  	[spmem:s0] =	stream.linear.scatter [tilespmem:s1], [sflag:$0x5], $0x2000, $0x38;
	[tilespmem:$0x1EFB8] =	vst v63  }
0xa3: {  	_ =	swait.ge [sflag:s6], $0x2000  }
0xa4: {  	[sflag:s6] =	ssyncset.done $0x0  }
0xa5: {  	s15 =	rddreg [dreg:$0x16];
	[sflag:s6] =	ssyncadd.s32 $0xFFFFE000  }
0xa6: {  	[spmem:s15] =	stream.linear.scatter [tilespmem:s1], [sflag:$0x5], $0x2000, $0x38;
	[tilespmem:$0x1EFB8] =	vst v63  }
0xa7: {  	_ =	swait.ge [sflag:s6], $0x2000  }
0xa8: {  	[sflag:s6] =	ssyncset.done $0x0  }
0xa9: {  	s16 =	rddreg [dreg:$0x17];
	[sflag:s6] =	ssyncadd.s32 $0xFFFFE000  }
0xaa: {  	[spmem:s16] =	stream.linear.scatter [tilespmem:s1], [sflag:$0x5], $0x2000, $0x38;
	[tilespmem:$0x1EFB8] =	vst v63  }
0xab: {  	_ =	swait.ge [sflag:s6], $0x2000  }
0xac: {  	[sflag:s6] =	ssyncset.done $0x0  }
0xad: {  	s30 =	rddreg [dreg:$0x18];
	[sflag:s6] =	ssyncadd.s32 $0xFFFFE000  }
0xae: {  	[spmem:s30] =	stream.linear.scatter [tilespmem:s1], [sflag:$0x5], $0x2000, $0x38;
	[tilespmem:$0x1EFB8] =	vst v63  }
0xaf: {  	_ =	swait.ge [sflag:s6], $0x2000  }
0xb0: {  	[sflag:s6] =	ssyncset.done $0x0  }
0xb1: {  	s2 =	rddreg [dreg:$0x19];
	[sflag:s6] =	ssyncadd.s32 $0xFFFFE000  }
0xb2: {  	[spmem:s2] =	stream.linear.scatter [tilespmem:s1], [sflag:$0x5], $0x2000, $0x38;
	[tilespmem:$0x1EFB8] =	vst v63  }
0xb3: {  	_ =	swait.ge [sflag:s6], $0x2000  }
0xb4: {  	[sflag:s6] =	ssyncset.done $0x0  }
0xb5: {  	s3 =	rddreg [dreg:$0x1a];
	[sflag:s6] =	ssyncadd.s32 $0xFFFFE000  }
0xb6: {  	[spmem:s3] =	stream.linear.scatter [tilespmem:s1], [sflag:$0x5], $0x2000, $0x38;
	[tilespmem:$0x1EFB8] =	vst v63  }
0xb7: {  	_ =	swait.ge [sflag:s6], $0x2000  }
0xb8: {  	[sflag:s6] =	ssyncset.done $0x0  }
0xb9: {  	s4 =	rddreg [dreg:$0x1b];
	[sflag:s6] =	ssyncadd.s32 $0xFFFFE000  }
0xba: {  	[spmem:s4] =	stream.linear.scatter [tilespmem:s1], [sflag:$0x5], $0x2000, $0x38;
	[tilespmem:$0x1EFB8] =	vst v63  }
0xbb: {  	_ =	swait.ge [sflag:s6], $0x2000  }
0xbc: {  	[sflag:s6] =	ssyncset.done $0x0  }
0xbd: {  	s7 =	rddreg [dreg:$0x1c];
	[sflag:s6] =	ssyncadd.s32 $0xFFFFE000  }
0xbe: {  	[spmem:s7] =	stream.linear.scatter [tilespmem:s1], [sflag:$0x5], $0x2000, $0x38;
	[tilespmem:$0x1EFB8] =	vst v63  }
0xbf: {  	_ =	swait.ge [sflag:s6], $0x2000  }
0xc0: {  	[sflag:s6] =	ssyncset.done $0x0  }
0xc1: {  	s12 =	rddreg [dreg:$0x1d];
	[sflag:s6] =	ssyncadd.s32 $0xFFFFE000  }
0xc2: {  	[spmem:s12] =	stream.linear.scatter [tilespmem:s1], [sflag:$0x5], $0x1800, $0x38;
	[tilespmem:$0x1EFB8] =	vst v63  }
0xc3: {  	_ =	swait.ge [sflag:s6], $0x1800  }
0xc4: {  	s15 =	sld [smem:$0x7F5];
	_ =	sdelay $0x2  }
0xc5: {  	[sflag:s6] =	ssyncset.done $0x0;
	p1 =	seq.s32 s15, $0x1  }
0xc6: {  	s1 =	rddreg [dreg:$0x1e];
	[sflag:s6] =	ssyncadd.s32 $0xFFFFE800;
	s0 =	simm.s32 @!p1 $0xA800  }
0xc7: {  	[spmem:s1] =	stream.linear.scatter @!p1 [tilespmem:s0], [sflag:$0x5], $0x70, $0x38;
	[tilespmem:$0x1EFB8] =	vst v63  }
0xc8: {  	s0 =	simm.s32 @!p1 $0x5  }
0xc9: {  	_ =	swait.ge @!p1 [sflag:s0], $0x70  }
0xca: {  	s16 =	sld [smem:$0x7F9];
	_ =	sdelay $0x1  }
0xcb: {  	[sflag:s0] =	ssyncset.done @!p1 $0x0  }
0xcc: {  	[sflag:s0] =	ssyncadd.s32 @!p1 $0xFFFFFF90;
	p1 =	seq.s32 s16, $0x1  }
0xcd: {  	s1 =	rddreg [dreg:$0xf];
	s0 =	simm.s32 @!p1 $0xA800  }
0xce: {  	[spmem:s1] =	stream.linear.scatter @!p1 [tilespmem:s0], [sflag:$0x5], $0x7D0, $0x38;
	[tilespmem:$0x1EFB8] =	vst v63  }
0xcf: {  	s0 =	simm.s32 @!p1 $0x5  }
0xd0: {  	_ =	swait.ge @!p1 [sflag:s0], $0x7D0  }
0xd1: {  	s30 =	sld [smem:$0x7F7];
	_ =	sdelay $0x1  }
0xd2: {  	[sflag:s0] =	ssyncset.done @!p1 $0x0  }
0xd3: {  	[sflag:s0] =	ssyncadd.s32 @!p1 $0xFFFFF830;
	p1 =	seq.s32 s30, $0x1  }
0xd4: {  	s0 =	simm.s32 @!p1 $0x8800  }
0xd5: {  	[spmem:s5] =	stream.linear.scatter @!p1 [tilespmem:s0], [sflag:$0x5], $0xC00, $0x38;
	[tilespmem:$0x1EFB8] =	vst v63  }
0xd6: {  	s0 =	simm.s32 @!p1 $0x5  }
.Ltmp4:
0xd7: {  	_ =	swait.ge @!p1 [sflag:s0], $0xC00;
	(pc) =	sbr.rel .LBB2_6-.Ltmp4, $4  }
0xd8: {  	[sflag:s0] =	ssyncset.done @!p1 $0x0  }
0xd9: {  	[sflag:s0] =	ssyncadd.s32 @!p1 $0xFFFFF400  }
0xda: {  	[bflag:$0x0] =	sbarrier.arrive $0xFFFF  }
0xdb: {  	s31 =	simm.s32 $0x0;
	s5 =	stileid.u32  }
.LBB2_8:
0xdc: {  	s31 =	sadd.s32 $0x800, s31  }
0xdd: {  	p1 =	sne.s32 s31, $0xA000  }
.Ltmp5:
0xde: {  	_ = 	snop;
	(pc) =	sbr.rel @!p1 .LBB2_9-.Ltmp5, $2  }
0xdf: {  	_ =	sdelay $0x2  }
0xe0: {  	s5 =	sadd.s32 $0x10, s5  }
.LBB2_6:
0xe1: {  	p6 =	sgt.u32 s5, $0x138  }
.Ltmp6:
0xe2: {  	_ = 	snop;
	(pc) =	sbr.rel @p6 .LBB2_8-.Ltmp6, $1  }
0xe3: {  	_ =	sdelay $0x3  }
0xe4: {  	s0 =	sadd.s32 @!p2 s31, s23;
	s1 =	simm.s32 @!p2 $0x0;
	s2 =	simm.s32 @!p2 $0x8000  }
0xe5: {  	[tilespmem:s2], [sflag:$0x5] =	stream.linear.gather @!p2 [hbm4b:s0+s1], $0x400, $0x38;
	[tilespmem:$0x1EFB8] =	vst v63  }
0xe6: {  	s0 =	simm.s32 @!p2 $0x5  }
0xe7: {  	_ =	swait.ge @!p2 [sflag:s0], $0x400  }
0xe8: {  	s1 =	simm.s32 @p0 $0x0;
	[sflag:s0] =	ssyncset.done @!p2 $0x0  }
0xe9: {  	s2 =	simm.s32 @p0 $0x8000;
	[sflag:s0] =	ssyncadd.s32 @!p2 $0xFFFFFC00;
	s0 =	sadd.s32 @p0 s31, s25  }
0xea: {  	[tilespmem:s2], [sflag:$0x5] =	stream.linear.gather @p0 [hbm4b:s0+s1], $0x400, $0x38;
	[tilespmem:$0x1EFB8] =	vst v63  }
0xeb: {  	s0 =	simm.s32 @p0 $0x5  }
0xec: {  	_ =	swait.ge @p0 [sflag:s0], $0x400  }
0xed: {  	[sflag:s0] =	ssyncset.done @p0 $0x0  }
0xee: {  	s16 =	sadd.s32 s31, s24;
	[sflag:s0] =	ssyncadd.s32 @p0 $0xFFFFFC00  }
0xef: {  	[tilespmem:s8], [sflag:$0x5] =	stream.linear.gather [hbm4b:s16+s13], $0x400, $0x38;
	[tilespmem:$0x1EFB8] =	vst v63  }
0xf0: {  	p6 =	slt.u32 s5, $0x9C;
	_ =	swait.ge [sflag:s6], $0x400  }
0xf1: {  	p1 =	sgt.u32 s5, $0x9B;
	s30 =	simm.s32 $0x8000;
	[sflag:s6] =	ssyncset.done $0x0  }
0xf2: {  	p6 =	por !p3, !p6;
	p1 =	por !p1, !p0;
	[sflag:s6] =	ssyncadd.s32 $0xFFFFFC00  }
0xf3: {  	[tilespmem:s13], [sflag:$0x1] =	stream.indirect.gather [hbm4b:s14+s9], $0x80, s30, s9, $0xb8;
	[tilespmem:$0x1EFB8] =	vst v63  }
0xf4: {  	p6 =	por !p6, !p6;
	p1 =	por !p1, !p1;
	_ =	swait.ge [sflag:s17], $0x4000  }
0xf5: {  	p6 =	por p6, p1;
	[sflag:s17] =	ssyncset.done $0x0  }
0xf6: {  	s3 =	simm.s32 @!p6 $0x80;
	[sflag:s17] =	ssyncadd.s32 $0xFFFFC000  }
0xf7: {  	[spmem:s10] =	stream.indirect.scatter.add.f32 [tilespmem:s13], [sflag:$0x2], $0x80, s8, s9, $0xb8;
	[tilespmem:$0x1EFB8] =	vst v63  }
0xf8: {  	s4 =	simm.s32 @!p6 $0x1;
	s1 =	simm.s32 @!p6 $0x4000;
	s0 =	simm.s32 @!p6 $0x8080  }
0xf9: {  	[tilespmem:s1], [sflag:$0x1] =	stream.indirect.gather @!p6 [hbm4b:s14+s3], $0x80, s0, s3, $0xb8;
	[tilespmem:$0x1EFB8] =	vst v63  }
0xfa: {  	_ =	swait.ge @!p6 [sflag:s4], $0x4000  }
0xfb: {  	[sflag:s4] =	ssyncset.done @!p6 $0x0  }
0xfc: {  	s0 =	simm.s32 @!p6 $0x8480;
	[sflag:s4] =	ssyncadd.s32 @!p6 $0xFFFFC000  }
0xfd: {  	[spmem:s10] =	stream.indirect.scatter.add.f32 @!p6 [tilespmem:s1], [sflag:$0x3], $0x80, s0, s3, $0xb8;
	[tilespmem:$0x1EFB8] =	vst v63  }
0xfe: {  	s0 =	simm.s32 @!p6 $0x2  }
0xff: {  	_ =	swait.ge @!p6 [sflag:s0], $0x4000  }
0x100: {  	[sflag:s0] =	ssyncset.done @!p6 $0x0  }
0x101: {  	s16 =	simm.s32 @!p6 $0x0;
	s1 =	simm.s32 @!p6 $0x8100;
	[sflag:s0] =	ssyncadd.s32 @!p6 $0xFFFFC000  }
0x102: {  	[tilespmem:s16], [sflag:$0x1] =	stream.indirect.gather @!p6 [hbm4b:s14+s3], $0x80, s1, s3, $0xb8;
	[tilespmem:$0x1EFB8] =	vst v63  }
0x103: {  	_ =	swait.ge @!p6 [sflag:s4], $0x4000  }
0x104: {  	[sflag:s4] =	ssyncset.done @!p6 $0x0  }
0x105: {  	s1 =	simm.s32 @!p6 $0x8500;
	[sflag:s4] =	ssyncadd.s32 @!p6 $0xFFFFC000  }
0x106: {  	[spmem:s10] =	stream.indirect.scatter.add.f32 @!p6 [tilespmem:s16], [sflag:$0x2], $0x80, s1, s3, $0xb8;
	[tilespmem:$0x1EFB8] =	vst v63  }
0x107: {  	s7 =	simm.s32 @p6 $0x8400;
	s2 =	simm.s32 @p6 $0xB000;
	s1 =	simm.s32 @p6 $0x80  }
0x108: {  	[spmem:s11] =	stream.indirect.scatter.add.f32 @p6 [tilespmem:s2], [sflag:$0x4], $0x1, s7, s1, $0xb8;
	[tilespmem:$0x1EFB8] =	vst v63  }
0x109: {  	s12 =	simm.s32 @p6 $0x4000;
	s7 =	simm.s32 @p6 $0x8080  }
0x10a: {  	[tilespmem:s12], [sflag:$0x1] =	stream.indirect.gather @p6 [hbm4b:s14+s1], $0x80, s7, s1, $0xb8;
	[tilespmem:$0x1EFB8] =	vst v63  }
0x10b: {  	s7 =	simm.s32 @p6 $0x1  }
0x10c: {  	_ =	swait.ge @p6 [sflag:s7], $0x4000  }
0x10d: {  	[sflag:s7] =	ssyncset.done @p6 $0x0  }
0x10e: {  	s30 =	simm.s32 @p6 $0x8480;
	[sflag:s7] =	ssyncadd.s32 @p6 $0xFFFFC000  }
0x10f: {  	[spmem:s10] =	stream.indirect.scatter.add.f32 @p6 [tilespmem:s12], [sflag:$0x3], $0x80, s30, s1, $0xb8;
	[tilespmem:$0x1EFB8] =	vst v63  }
0x110: {  	s12 =	simm.s32 @p6 $0x2  }
0x111: {  	[spmem:s11] =	stream.indirect.scatter.add.f32 @p6 [tilespmem:s2], [sflag:$0x4], $0x1, s30, s1, $0xb8;
	[tilespmem:$0x1EFB8] =	vst v63  }
0x112: {  	_ =	swait.ge @p6 [sflag:s12], $0x4000  }
0x113: {  	[sflag:s12] =	ssyncset.done @p6 $0x0  }
0x114: {  	s15 =	simm.s32 @p6 $0x8100;
	s30 =	simm.s32 @p6 $0x0;
	[sflag:s12] =	ssyncadd.s32 @p6 $0xFFFFC000  }
0x115: {  	[tilespmem:s30], [sflag:$0x1] =	stream.indirect.gather @p6 [hbm4b:s14+s1], $0x80, s15, s1, $0xb8;
	[tilespmem:$0x1EFB8] =	vst v63  }
0x116: {  	_ =	swait.ge @p6 [sflag:s7], $0x4000  }
0x117: {  	[sflag:s7] =	ssyncset.done @p6 $0x0  }
0x118: {  	s15 =	simm.s32 @p6 $0x8500;
	[sflag:s7] =	ssyncadd.s32 @p6 $0xFFFFC000  }
0x119: {  	[spmem:s10] =	stream.indirect.scatter.add.f32 @p6 [tilespmem:s30], [sflag:$0x2], $0x80, s15, s1, $0xb8;
	[tilespmem:$0x1EFB8] =	vst v63  }
0x11a: {  	_ = 	snop  }
0x11b: {  	[spmem:s11] =	stream.indirect.scatter.add.f32 @p6 [tilespmem:s2], [sflag:$0x4], $0x1, s15, s1, $0xb8;
	[tilespmem:$0x1EFB8] =	vst v63  }
0x11c: {  	_ =	swait.ge [sflag:s18], $0x4000  }
0x11d: {  	[sflag:s18] =	ssyncset.done $0x0  }
0x11e: {  	[sflag:s18] =	ssyncadd.s32 $0xFFFFC000  }
0x11f: {  	[tilespmem:s20], [sflag:$0x1] =	stream.indirect.gather [hbm4b:s14+s9], $0x80, s19, s9, $0xb8;
	[tilespmem:$0x1EFB8] =	vst v63  }
0x120: {  	_ =	swait.ge [sflag:s17], $0x4000  }
0x121: {  	[sflag:s17] =	ssyncset.done $0x0  }
0x122: {  	[sflag:s17] =	ssyncadd.s32 $0xFFFFC000  }
0x123: {  	[spmem:s10] =	stream.indirect.scatter.add.f32 [tilespmem:s20], [sflag:$0x3], $0x80, s21, s9, $0xb8;
	[tilespmem:$0x1EFB8] =	vst v63  }
0x124: {  	_ =	swait.ge @!p6 [sflag:s0], $0x4000  }
0x125: {  	[sflag:s0] =	ssyncset.done @!p6 $0x0  }
0x126: {  	s15 =	simm.s32 @!p6 $0x8200;
	[sflag:s0] =	ssyncadd.s32 @!p6 $0xFFFFC000  }
0x127: {  	[tilespmem:s16], [sflag:$0x1] =	stream.indirect.gather @!p6 [hbm4b:s14+s3], $0x80, s15, s3, $0xb8;
	[tilespmem:$0x1EFB8] =	vst v63  }
0x128: {  	_ =	swait.ge @!p6 [sflag:s4], $0x4000  }
0x129: {  	[sflag:s4] =	ssyncset.done @!p6 $0x0  }
0x12a: {  	s15 =	simm.s32 @!p6 $0x8600;
	[sflag:s4] =	ssyncadd.s32 @!p6 $0xFFFFC000  }
0x12b: {  	[spmem:s10] =	stream.indirect.scatter.add.f32 @!p6 [tilespmem:s16], [sflag:$0x2], $0x80, s15, s3, $0xb8;
	[tilespmem:$0x1EFB8] =	vst v63  }
0x12c: {  	s15 =	simm.s32 @p6 $0x8580  }
0x12d: {  	[spmem:s11] =	stream.indirect.scatter.add.f32 @p6 [tilespmem:s2], [sflag:$0x4], $0x1, s15, s1, $0xb8;
	[tilespmem:$0x1EFB8] =	vst v63  }
0x12e: {  	_ =	swait.ge @p6 [sflag:s12], $0x4000  }
0x12f: {  	[sflag:s12] =	ssyncset.done @p6 $0x0  }
0x130: {  	s15 =	simm.s32 @p6 $0x8200;
	[sflag:s12] =	ssyncadd.s32 @p6 $0xFFFFC000  }
0x131: {  	[tilespmem:s30], [sflag:$0x1] =	stream.indirect.gather @p6 [hbm4b:s14+s1], $0x80, s15, s1, $0xb8;
	[tilespmem:$0x1EFB8] =	vst v63  }
0x132: {  	_ =	swait.ge @p6 [sflag:s7], $0x4000  }
0x133: {  	[sflag:s7] =	ssyncset.done @p6 $0x0  }
0x134: {  	s15 =	simm.s32 @p6 $0x8600;
	[sflag:s7] =	ssyncadd.s32 @p6 $0xFFFFC000  }
0x135: {  	[spmem:s10] =	stream.indirect.scatter.add.f32 @p6 [tilespmem:s30], [sflag:$0x2], $0x80, s15, s1, $0xb8;
	[tilespmem:$0x1EFB8] =	vst v63  }
0x136: {  	_ = 	snop  }
0x137: {  	[spmem:s11] =	stream.indirect.scatter.add.f32 @p6 [tilespmem:s2], [sflag:$0x4], $0x1, s15, s1, $0xb8;
	[tilespmem:$0x1EFB8] =	vst v63  }
0x138: {  	_ =	swait.ge [sflag:s18], $0x4000  }
0x139: {  	[sflag:s18] =	ssyncset.done $0x0  }
0x13a: {  	[sflag:s18] =	ssyncadd.s32 $0xFFFFC000  }
0x13b: {  	[tilespmem:s20], [sflag:$0x1] =	stream.indirect.gather [hbm4b:s14+s9], $0x80, s22, s9, $0xb8;
	[tilespmem:$0x1EFB8] =	vst v63  }
0x13c: {  	_ =	swait.ge [sflag:s17], $0x4000  }
0x13d: {  	[sflag:s17] =	ssyncset.done $0x0  }
0x13e: {  	[sflag:s17] =	ssyncadd.s32 $0xFFFFC000  }
0x13f: {  	[spmem:s10] =	stream.indirect.scatter.add.f32 [tilespmem:s20], [sflag:$0x3], $0x80, s26, s9, $0xb8;
	[tilespmem:$0x1EFB8] =	vst v63  }
0x140: {  	_ =	swait.ge @!p6 [sflag:s0], $0x4000  }
0x141: {  	[sflag:s0] =	ssyncset.done @!p6 $0x0  }
0x142: {  	s15 =	simm.s32 @!p6 $0x8300;
	[sflag:s0] =	ssyncadd.s32 @!p6 $0xFFFFC000  }
0x143: {  	[tilespmem:s16], [sflag:$0x1] =	stream.indirect.gather @!p6 [hbm4b:s14+s3], $0x80, s15, s3, $0xb8;
	[tilespmem:$0x1EFB8] =	vst v63  }
0x144: {  	_ =	swait.ge @!p6 [sflag:s4], $0x4000  }
0x145: {  	[sflag:s4] =	ssyncset.done @!p6 $0x0  }
0x146: {  	[sflag:s4] =	ssyncadd.s32 @!p6 $0xFFFFC000;
	s4 =	simm.s32 @!p6 $0x8700  }
0x147: {  	[spmem:s10] =	stream.indirect.scatter.add.f32 @!p6 [tilespmem:s16], [sflag:$0x2], $0x80, s4, s3, $0xb8;
	[tilespmem:$0x1EFB8] =	vst v63  }
0x148: {  	s3 =	simm.s32 @p6 $0x8680  }
0x149: {  	[spmem:s11] =	stream.indirect.scatter.add.f32 @p6 [tilespmem:s2], [sflag:$0x4], $0x1, s3, s1, $0xb8;
	[tilespmem:$0x1EFB8] =	vst v63  }
0x14a: {  	_ =	swait.ge @p6 [sflag:s12], $0x4000  }
0x14b: {  	[sflag:s12] =	ssyncset.done @p6 $0x0  }
0x14c: {  	s3 =	simm.s32 @p6 $0x8300;
	[sflag:s12] =	ssyncadd.s32 @p6 $0xFFFFC000  }
0x14d: {  	[tilespmem:s30], [sflag:$0x1] =	stream.indirect.gather @p6 [hbm4b:s14+s1], $0x80, s3, s1, $0xb8;
	[tilespmem:$0x1EFB8] =	vst v63  }
0x14e: {  	_ =	swait.ge @p6 [sflag:s7], $0x4000  }
0x14f: {  	[sflag:s7] =	ssyncset.done @p6 $0x0  }
0x150: {  	s3 =	simm.s32 @p6 $0x8700;
	[sflag:s7] =	ssyncadd.s32 @p6 $0xFFFFC000  }
0x151: {  	[spmem:s10] =	stream.indirect.scatter.add.f32 @p6 [tilespmem:s30], [sflag:$0x2], $0x80, s3, s1, $0xb8;
	[tilespmem:$0x1EFB8] =	vst v63  }
0x152: {  	_ = 	snop  }
0x153: {  	[spmem:s11] =	stream.indirect.scatter.add.f32 @p6 [tilespmem:s2], [sflag:$0x4], $0x1, s3, s1, $0xb8;
	[tilespmem:$0x1EFB8] =	vst v63  }
0x154: {  	_ =	swait.ge [sflag:s18], $0x4000  }
0x155: {  	[sflag:s18] =	ssyncset.done $0x0  }
0x156: {  	[sflag:s18] =	ssyncadd.s32 $0xFFFFC000  }
0x157: {  	[tilespmem:s20], [sflag:$0x1] =	stream.indirect.gather [hbm4b:s14+s9], $0x80, s28, s9, $0xb8;
	[tilespmem:$0x1EFB8] =	vst v63  }
0x158: {  	_ =	swait.ge [sflag:s17], $0x4000  }
0x159: {  	[sflag:s17] =	ssyncset.done $0x0  }
0x15a: {  	[sflag:s17] =	ssyncadd.s32 $0xFFFFC000  }
0x15b: {  	[spmem:s10] =	stream.indirect.scatter.add.f32 [tilespmem:s20], [sflag:$0x3], $0x80, s29, s9, $0xb8;
	[tilespmem:$0x1EFB8] =	vst v63  }
0x15c: {  	_ =	swait.ge @!p6 [sflag:s0], $0x4000  }
0x15d: {  	[sflag:s0] =	ssyncset.done @!p6 $0x0  }
0x15e: {  	[sflag:s0] =	ssyncadd.s32 @!p6 $0xFFFFC000;
	s0 =	simm.s32 @!p6 $0x3  }
0x15f: {  	_ =	swait.ge @!p6 [sflag:s0], $0x4000  }
0x160: {  	[sflag:s0] =	ssyncset.done @!p6 $0x0  }
0x161: {  	[sflag:s0] =	ssyncadd.s32 @!p6 $0xFFFFC000;
	s0 =	simm.s32 @p6 $0x8780  }
0x162: {  	[spmem:s11] =	stream.indirect.scatter.add.f32 @p6 [tilespmem:s2], [sflag:$0x4], $0x1, s0, s1, $0xb8;
	[tilespmem:$0x1EFB8] =	vst v63  }
0x163: {  	_ =	swait.ge @p6 [sflag:s12], $0x4000  }
0x164: {  	[sflag:s12] =	ssyncset.done @p6 $0x0  }
0x165: {  	s0 =	simm.s32 @p6 $0x3;
	[sflag:s12] =	ssyncadd.s32 @p6 $0xFFFFC000  }
0x166: {  	_ =	swait.ge @p6 [sflag:s0], $0x4000  }
0x167: {  	[sflag:s0] =	ssyncset.done @p6 $0x0  }
0x168: {  	[sflag:s0] =	ssyncadd.s32 @p6 $0xFFFFC000;
	s0 =	simm.s32 @p6 $0x4  }
0x169: {  	_ =	swait.ge @p6 [sflag:s0], $0x80  }
0x16a: {  	[sflag:s0] =	ssyncset.done @p6 $0x0  }
0x16b: {  	[sflag:s0] =	ssyncadd.s32 @p6 $0xFFFFFF80  }
0x16c: {  	_ =	swait.ge @p6 [sflag:s0], $0x80  }
0x16d: {  	[sflag:s0] =	ssyncset.done @p6 $0x0  }
0x16e: {  	[sflag:s0] =	ssyncadd.s32 @p6 $0xFFFFFF80  }
0x16f: {  	_ =	swait.ge @p6 [sflag:s0], $0x80  }
0x170: {  	[sflag:s0] =	ssyncset.done @p6 $0x0  }
0x171: {  	[sflag:s0] =	ssyncadd.s32 @p6 $0xFFFFFF80  }
0x172: {  	_ =	swait.ge @p6 [sflag:s0], $0x80  }
0x173: {  	[sflag:s0] =	ssyncset.done @p6 $0x0  }
0x174: {  	[sflag:s0] =	ssyncadd.s32 @p6 $0xFFFFFF80  }
0x175: {  	_ =	swait.ge @p6 [sflag:s0], $0x80  }
0x176: {  	[sflag:s0] =	ssyncset.done @p6 $0x0  }
0x177: {  	[sflag:s0] =	ssyncadd.s32 @p6 $0xFFFFFF80  }
0x178: {  	_ =	swait.ge @p6 [sflag:s0], $0x80  }
0x179: {  	[sflag:s0] =	ssyncset.done @p6 $0x0  }
0x17a: {  	[sflag:s0] =	ssyncadd.s32 @p6 $0xFFFFFF80  }
0x17b: {  	_ =	swait.ge @p6 [sflag:s0], $0x80  }
.Ltmp7:
0x17c: {  	[sflag:s0] =	ssyncset.done @p6 $0x0;
	(pc) =	sbr.rel .LBB2_8-.Ltmp7, $4  }
0x17d: {  	[sflag:s0] =	ssyncadd.s32 @p6 $0xFFFFFF80  }
0x17e: {  	_ =	swait.ge @p6 [sflag:s0], $0x80  }
0x17f: {  	[sflag:s0] =	ssyncset.done @p6 $0x0  }
0x180: {  	[sflag:s0] =	ssyncadd.s32 @p6 $0xFFFFFF80  }
.LBB2_10:
0x181: {  	_ =	sfence.sel $0x180000  }
0x182: {  	[bflag:$0x0] =	sbarrier.arrive $0xFFFF  }
0x183: {  	_ =	strace $0x90000047  }
0x184: {  	[bflag:$0x2] =	sbarrier.arrive $0xFFFF  }
0x185: {  	p0 =	sne.s32 s3, $0x0;
	s0 =	rddreg [dreg:$0xc]  }
0x186: {  	s0 =	sadd.s32 @!p0 $0x100000, s0  }
0x187: {  	[sflag:s0] =	ssyncadd.tile.s32 @!p0 $0x1;
	_ =	shalt  }
.Lfunc_end2:
_tile_overlayer_lowered:
.L_overlay_start_2:
0x188: {  	(tag) =	ssettag $0x2  }
0x189: {  	s0 =	rddreg [dreg:$0x0];
	s2 =	stileid.u32  }
0x18a: {  	s1 =	rddreg [dreg:$0x1];
	p0 =	sne.s32 s2, $0x0  }
0x18b: {  	s3 =	rddreg [dreg:$0x2];
	[bflag:$0x3] =	sbarrier.arrive $0xFFFF;
	s2 =	simm.s32 @!p0 $0x1C05  }
0x18c: {  	[timem:s3], [sflag:s2] =	dma.local @!p0 [hbm:s0], s1  }
0x18d: {  	s0 =	simm.s32 @!p0 $0x5  }
0x18e: {  	_ =	swait.ge @!p0 [sflag:s0], s1  }
0x18f: {  	s1 =	ssub.s32 @!p0 $0x0, s1;
	[sflag:s0] =	ssyncset.done @!p0 $0x0  }
0x190: {  	[sflag:s0] =	ssyncadd.s32 @!p0 s1  }
0x191: {  	[bflag:$0x3] =	sbarrier.arrive $0xFFFF  }
0x192: {  	_ =	shalt  }

</sc_bundles>
